<compile_context>
chip_gen: v7x
topology: tpu7x:2x2x1
jax: 0.10.2.dev20260603
libtpu: 0.0.44.dev20260713+nightly
codegen_flags: <defaults>
</compile_context>

<pallas_src>
import jax
import jax.numpy as jnp
from jax import lax
from jax.experimental import pallas as pl
from jax.experimental.pallas import tpu as pltpu
from jax.experimental.pallas import tpu_sc as plsc

N = 10000
E = 320000
D = 128
D_FF = 2 * D

NC = 2
NS = 16
NW = NC * NS
EPW = E // NW
CH = 80
NCHUNK = EPW // CH
RPT = 640
NPAD = NS * RPT
ZCOPIES = RPT // CH

_MESH = plsc.VectorSubcoreMesh(core_axis_name="c", subcore_axis_name="s")


def _deg_body(col_hbm, out_hbm, idx_v, ones_v, zero_v, deg_sh, isem, asem):
    cid = lax.axis_index("c")
    sid = lax.axis_index("s")
    wid = sid * NC + cid

    pltpu.async_copy(col_hbm.at[wid], idx_v, isem)

    def fill_ones(i, _):
        ones_v[pl.ds(i * 16, 16)] = jnp.ones((16,), jnp.float32)
        return 0

    lax.fori_loop(0, CH // 16, fill_ones, 0)

    def fill_zero(i, _):
        zero_v[pl.ds(i * 16, 16)] = jnp.zeros((16,), jnp.float32)
        return 0

    lax.fori_loop(0, RPT // 16, fill_zero, 0)

    pltpu.sync_copy(zero_v, deg_sh.at[pl.ds(sid * RPT, RPT)])
    plsc.subcore_barrier()
    pltpu.make_async_copy(col_hbm.at[wid], idx_v, isem).wait()

    LAG = 8

    def fire(j, _):
        pltpu.async_copy(ones_v, deg_sh.at[idx_v.at[j]], asem, add=True)
        return 0

    def fire_drain(j, _):
        pltpu.async_copy(ones_v, deg_sh.at[idx_v.at[j]], asem, add=True)
        pltpu.make_async_copy(ones_v, deg_sh.at[idx_v.at[0]], asem).wait()
        return 0

    def drain(j, _):
        pltpu.make_async_copy(ones_v, deg_sh.at[idx_v.at[0]], asem).wait()
        return 0

    lax.fori_loop(0, LAG, fire, 0)
    lax.fori_loop(LAG, NCHUNK, fire_drain, 0)
    lax.fori_loop(0, LAG, drain, 0)
    plsc.subcore_barrier()

    pltpu.sync_copy(deg_sh.at[pl.ds(sid * RPT, RPT)],
                    out_hbm.at[cid, pl.ds(sid * RPT, RPT)])


_deg_call = pl.kernel(
    _deg_body,
    out_type=jax.ShapeDtypeStruct((NC, NPAD), jnp.float32),
    mesh=_MESH,
    scratch_types=[
        pltpu.VMEM((NCHUNK, CH), jnp.int32),
        pltpu.VMEM((CH,), jnp.float32),
        pltpu.VMEM((RPT,), jnp.float32),
        pltpu.VMEM_SHARED((NPAD,), jnp.float32),
        pltpu.SemaphoreType.DMA,
        pltpu.SemaphoreType.DMA,
    ],
)


def _z_body(y_hbm, pidx_hbm, out_hbm, pidx_v, rbuf0, cbuf0, rbuf1, cbuf1,
            gbuf0, gbuf1, z_sh, gsem0, gsem1, ssem0, ssem1, zsem, isem,
            gsem0b, gsem1b):
    HH = CH // 2
    cid = lax.axis_index("c")
    sid = lax.axis_index("s")
    wid = sid * NC + cid

    pltpu.async_copy(pidx_hbm.at[wid], pidx_v, isem)

    def fill_zero(r, _):
        for c in range(D // 16):
            gbuf1[r, pl.ds(c * 16, 16)] = jnp.zeros((16,), jnp.float32)
        return 0

    lax.fori_loop(0, CH, fill_zero, 0)

    for k in range(ZCOPIES):
        pltpu.async_copy(gbuf1, z_sh.at[pl.ds(sid * RPT + k * CH, CH)], zsem)

    def unpack(j, rbuf, cbuf):
        def body(t, _):
            v = pidx_v[j, pl.ds(t * 16, 16)]
            rbuf[pl.ds(t * 16, 16)] = jnp.bitwise_and(v, 0xFFFF)
            cbuf[pl.ds(t * 16, 16)] = lax.shift_right_logical(v, 16)
            return 0

        lax.fori_loop(0, CH // 16, body, 0)

    def start_g0():
        pltpu.async_copy(y_hbm.at[rbuf0.at[pl.ds(0, HH)]],
                         gbuf0.at[pl.ds(0, HH)], gsem0)
        pltpu.async_copy(y_hbm.at[rbuf0.at[pl.ds(HH, HH)]],
                         gbuf0.at[pl.ds(HH, HH)], gsem0b)

    def start_g1():
        pltpu.async_copy(y_hbm.at[rbuf1.at[pl.ds(0, HH)]],
                         gbuf1.at[pl.ds(0, HH)], gsem1)
        pltpu.async_copy(y_hbm.at[rbuf1.at[pl.ds(HH, HH)]],
                         gbuf1.at[pl.ds(HH, HH)], gsem1b)

    def wait_g0():
        pltpu.make_async_copy(y_hbm.at[rbuf0.at[pl.ds(0, HH)]],
                              gbuf0.at[pl.ds(0, HH)], gsem0).wait()
        pltpu.make_async_copy(y_hbm.at[rbuf0.at[pl.ds(HH, HH)]],
                              gbuf0.at[pl.ds(HH, HH)], gsem0b).wait()

    def wait_g1():
        pltpu.make_async_copy(y_hbm.at[rbuf1.at[pl.ds(0, HH)]],
                              gbuf1.at[pl.ds(0, HH)], gsem1).wait()
        pltpu.make_async_copy(y_hbm.at[rbuf1.at[pl.ds(HH, HH)]],
                              gbuf1.at[pl.ds(HH, HH)], gsem1b).wait()

    def wait_s0():
        pltpu.make_async_copy(gbuf0, z_sh.at[cbuf0], ssem0).wait()

    def wait_s1():
        pltpu.make_async_copy(gbuf1, z_sh.at[cbuf1], ssem1).wait()

    pltpu.make_async_copy(pidx_hbm.at[wid], pidx_v, isem).wait()
    unpack(0, rbuf0, cbuf0)
    start_g0()
    for k in range(ZCOPIES):
        pltpu.make_async_copy(
            gbuf1, z_sh.at[pl.ds(sid * RPT + k * CH, CH)], zsem).wait()
    plsc.subcore_barrier()

    unpack(1, rbuf1, cbuf1)
    start_g1()
    wait_g0()
    pltpu.async_copy(gbuf0, z_sh.at[cbuf0], ssem0, add=True)
    wait_g1()
    pltpu.async_copy(gbuf1, z_sh.at[cbuf1], ssem1, add=True)
    wait_s0()
    unpack(2, rbuf0, cbuf0)
    start_g0()

    def pair(k, _):
        a = 2 * k
        wait_g0()
        pltpu.async_copy(gbuf0, z_sh.at[cbuf0], ssem0, add=True)
        wait_s1()
        unpack(a + 1, rbuf1, cbuf1)
        start_g1()
        wait_g1()
        pltpu.async_copy(gbuf1, z_sh.at[cbuf1], ssem1, add=True)
        wait_s0()
        unpack(a + 2, rbuf0, cbuf0)
        start_g0()
        return 0

    lax.fori_loop(1, (NCHUNK - 1) // 2, pair, 0)

    wait_g0()
    pltpu.async_copy(gbuf0, z_sh.at[cbuf0], ssem0, add=True)
    wait_s1()
    wait_s0()
    plsc.subcore_barrier()

    pltpu.sync_copy(z_sh.at[pl.ds(sid * RPT, RPT)],
                    out_hbm.at[cid, pl.ds(sid * RPT, RPT)])


_z_call = pl.kernel(
    _z_body,
    out_type=jax.ShapeDtypeStruct((NC, NPAD, D), jnp.float32),
    mesh=_MESH,
    scratch_types=[
        pltpu.VMEM((NCHUNK, CH), jnp.int32),
        pltpu.VMEM((CH,), jnp.int32),
        pltpu.VMEM((CH,), jnp.int32),
        pltpu.VMEM((CH,), jnp.int32),
        pltpu.VMEM((CH,), jnp.int32),
        pltpu.VMEM((CH, D), jnp.float32),
        pltpu.VMEM((CH, D), jnp.float32),
        pltpu.VMEM_SHARED((NPAD, D), jnp.float32),
        pltpu.SemaphoreType.DMA,
        pltpu.SemaphoreType.DMA,
        pltpu.SemaphoreType.DMA,
        pltpu.SemaphoreType.DMA,
        pltpu.SemaphoreType.DMA,
        pltpu.SemaphoreType.DMA,
        pltpu.SemaphoreType.DMA,
        pltpu.SemaphoreType.DMA,
    ],
)


def _xliny_body(x_ref, w_ref, deg_ref, y_ref):
    deg = deg_ref[0, :N] + deg_ref[1, :N] + 1.0
    dis = lax.rsqrt(deg)
    xl = jnp.dot(x_ref[...], w_ref[...], preferred_element_type=jnp.float32)
    y_ref[...] = xl * dis[:, None]


def _xliny_call(x, w, deg_p):
    return pl.pallas_call(
        _xliny_body,
        out_shape=jax.ShapeDtypeStruct((N, D), jnp.float32),
    )(x, w, deg_p)


def _final_body(x_ref, y_ref, deg_ref, z_ref, b_gcn_ref, g1_ref, b1_ref,
                wf1_ref, bf1_ref, wf2_ref, bf2_ref, g2_ref, b2_ref, out_ref):
    deg = deg_ref[0, :N] + deg_ref[1, :N] + 1.0
    dis = lax.rsqrt(deg)
    y = y_ref[...]
    z = z_ref[0, :N, :] + z_ref[1, :N, :]
    gcn = (z + y) * dis[:, None] + b_gcn_ref[...]
    h = x_ref[...] + gcn

    mu1 = jnp.mean(h, axis=0)
    hc = h - mu1
    var1 = jnp.mean(hc * hc, axis=0)
    h1 = hc * lax.rsqrt(var1 + 1e-5) * g1_ref[...] + b1_ref[...]

    mid = jnp.maximum(
        jnp.dot(h1, wf1_ref[...], preferred_element_type=jnp.float32)
        + bf1_ref[...], 0.0)
    ff = jnp.dot(mid, wf2_ref[...],
                 preferred_element_type=jnp.float32) + bf2_ref[...]
    h2 = h1 + ff

    mu2 = jnp.mean(h2, axis=0)
    hc2 = h2 - mu2
    var2 = jnp.mean(hc2 * hc2, axis=0)
    out_ref[...] = hc2 * lax.rsqrt(var2 + 1e-5) * g2_ref[...] + b2_ref[...]


def _final_call(x, y, deg_p, z_p, b_gcn, g1, b1, wf1, bf1, wf2, bf2, g2, b2):
    return pl.pallas_call(
        _final_body,
        out_shape=jax.ShapeDtypeStruct((N, D), jnp.float32),
    )(x, y, deg_p, z_p, b_gcn, g1, b1, wf1, bf1, wf2, bf2, g2, b2)


def kernel(x, edge_index, W_gcn, b_gcn, bn1_gamma, bn1_beta, W_ff1, b_ff1,
           W_ff2, b_ff2, bn2_gamma, bn2_beta):
    ei = edge_index.astype(jnp.int32)
    col = ei[1].reshape(NW, NCHUNK, CH)
    pidx = jnp.bitwise_or(ei[0], jnp.left_shift(ei[1], 16))
    pidx = pidx.reshape(NW, NCHUNK, CH)
    deg_p = _deg_call(col)
    y = _xliny_call(x, W_gcn, deg_p)
    z_p = _z_call(y, pidx)
    return _final_call(x, y, deg_p, z_p, b_gcn, bn1_gamma, bn1_beta,
                       W_ff1, b_ff1, W_ff2, b_ff2, bn2_gamma, bn2_beta)

# --- scband reference (transcript-rebuilt; emitter-appended) ---
"""Pipeline reference for scband-naslayer-68453188764129 (READ-ONLY COPY).

The authoritative reference and input builder live on the scoring server;
editing this copy changes nothing except your own understanding.
"""

import jax, jax.numpy as jnp
import numpy as np

N = 10000
E = 320000
D = 128
D_FF = 2 * D


def setup_inputs(seed: int = 0) -> dict:
    key = jax.random.key(seed)
    ks = jax.random.split(key, 12)
    x = jax.random.normal(ks[0], (N, D), dtype=jnp.float32)
    edge_index = jax.random.randint(ks[1], (2, E), 0, N).astype(jnp.int64)
    s = 1.0 / np.sqrt(D)
    s_ff = 1.0 / np.sqrt(D_FF)
    W_gcn = jax.random.uniform(ks[2], (D, D), jnp.float32, -s, s)
    b_gcn = jnp.zeros((D,), jnp.float32)
    bn1_gamma = jnp.ones((D,), jnp.float32)
    bn1_beta = jnp.zeros((D,), jnp.float32)
    W_ff1 = jax.random.uniform(ks[3], (D, D_FF), jnp.float32, -s, s)
    b_ff1 = jax.random.uniform(ks[4], (D_FF,), jnp.float32, -s, s)
    W_ff2 = jax.random.uniform(ks[5], (D_FF, D), jnp.float32, -s_ff, s_ff)
    b_ff2 = jax.random.uniform(ks[6], (D,), jnp.float32, -s_ff, s_ff)
    bn2_gamma = jnp.ones((D,), jnp.float32)
    bn2_beta = jnp.zeros((D,), jnp.float32)
    return {
        "x": x, "edge_index": edge_index,
        "W_gcn": W_gcn, "b_gcn": b_gcn,
        "bn1_gamma": bn1_gamma, "bn1_beta": bn1_beta,
        "W_ff1": W_ff1, "b_ff1": b_ff1,
        "W_ff2": W_ff2, "b_ff2": b_ff2,
        "bn2_gamma": bn2_gamma, "bn2_beta": bn2_beta,
    }


def _gcn_conv(x, edge_index, W, b):
    n = x.shape[0]
    row = edge_index[0]
    col = edge_index[1]
    loop = jnp.arange(n, dtype=row.dtype)
    row = jnp.concatenate([row, loop])
    col = jnp.concatenate([col, loop])
    x_lin = x @ W
    deg = jnp.zeros((n,), x.dtype).at[col].add(1.0)
    dis = jnp.where(deg > 0, 1.0 / jnp.sqrt(deg), 0.0)
    norm = dis[row] * dis[col]
    msg = x_lin[row] * norm[:, None]
    out = jnp.zeros_like(x_lin).at[col].add(msg)
    return out + b


def _batchnorm(h, gamma, beta, eps=1e-5):
    mu = h.mean(axis=0)
    var = h.var(axis=0)
    return (h - mu) / jnp.sqrt(var + eps) * gamma + beta


def reference(x, edge_index, W_gcn, b_gcn, bn1_gamma, bn1_beta, W_ff1, b_ff1, W_ff2, b_ff2, bn2_gamma, bn2_beta):
    # Local GNN branch (GCNConv), dropout=0.0 -> identity
    h_local = _gcn_conv(x, edge_index, W_gcn, b_gcn)
    h = x + h_local  # residual
    h = _batchnorm(h, bn1_gamma, bn1_beta)  # norm1_local (BatchNorm1d)
    # Feed-forward block
    ff = jax.nn.relu(h @ W_ff1 + b_ff1) @ W_ff2 + b_ff2
    h = h + ff  # residual
    h = _batchnorm(h, bn2_gamma, bn2_beta)  # norm2 (BatchNorm1d)
    return h

if __name__ == "__main__":
    import jax
    _d = setup_inputs()
    print(jax.jit(kernel)(*tuple(_d.values())))

</pallas_src>

<mosaic_0001>
#map = affine_map<(d0, d1) -> (0, 0, 0)>
#map1 = affine_map<(d0, d1) -> (0, 0)>
module attributes {stable_mosaic.version = 14 : i64} {
  func.func @_deg_body(%arg0: i32, %arg1: i32, %arg2: memref<32x125x80xi32, #tpu.memory_space<hbm>>, %arg3: memref<2x10240xf32, #tpu.memory_space<hbm>>, %arg4: memref<125x80xi32, #tpu.memory_space<vmem>>, %arg5: memref<80xf32, #tpu.memory_space<vmem>>, %arg6: memref<640xf32, #tpu.memory_space<vmem>>, %arg7: memref<10240xf32, #tpu.memory_space<vmem_shared>>, %arg8: memref<!tpu.dma_semaphore, #tpu.memory_space<semaphore_mem>>, %arg9: memref<!tpu.dma_semaphore, #tpu.memory_space<semaphore_mem>>) attributes {dimension_semantics = [#tpu.dimension_semantics<core_parallel>, #tpu.dimension_semantics<subcore_parallel>], iteration_bounds = array<i64: 2, 16>, scalar_prefetch = 0 : i64, scratch_operands = 6 : i64, tpu.core_type = #tpu.core_type<sc_vector_subcore>, window_params = [{transform_indices = #map}, {transform_indices = #map1}]} {
    %mul3A = arith.constant 2 : i32
    %mul3A_0 = arith.muli %arg1, %mul3A : i32
    %add3A = arith.addi %mul3A_0, %arg0 : i32
    %dma_start3A = arith.constant 0 : i32
    %dma_start3A_1 = arith.constant 0 : i32
    %dma_start3A_2 = tpu.memref_slice %arg2[%add3A, %dma_start3A, %dma_start3A_1] : memref<32x125x80xi32, #tpu.memory_space<hbm>> -> memref<1x125x80xi32, #tpu.memory_space<hbm>>
    %dma_start3A_3 = tpu.memref_squeeze %dma_start3A_2 : memref<1x125x80xi32, #tpu.memory_space<hbm>> -> memref<125x80xi32, #tpu.memory_space<hbm>>
    %dma_start3A_4 = arith.constant 0 : i32
    %dma_start3A_5 = arith.constant 0 : i32
    %dma_start3A_6 = tpu.memref_slice %arg2[%add3A, %dma_start3A_4, %dma_start3A_5] : memref<32x125x80xi32, #tpu.memory_space<hbm>> -> memref<1x125x80xi32, #tpu.memory_space<hbm>>
    %dma_start3A_7 = tpu.memref_squeeze %dma_start3A_6 : memref<1x125x80xi32, #tpu.memory_space<hbm>> -> memref<125x80xi32, #tpu.memory_space<hbm>>
    tpu.enqueue_dma source(%dma_start3A_7 : memref<125x80xi32, #tpu.memory_space<hbm>>) target(%arg4 : memref<125x80xi32, #tpu.memory_space<vmem>>) target_semaphore(%arg8 : memref<!tpu.dma_semaphore, #tpu.memory_space<semaphore_mem>>)
    %scan3A = arith.constant 0 : i32
    %scan3A_8 = arith.constant 0 : i32
    %scan3A_9 = arith.constant 5 : i32
    %scan3A_10 = arith.addi %scan3A_8, %scan3A_9 : i32
    %scan3A_11 = arith.constant 1 : i32
    %scan3A_12 = scf.for %scan3A_56 = %scan3A_8 to %scan3A_10 step %scan3A_11 iter_args(%scan3A_57 = %scan3A) -> (i32)  : i32 {
      %broadcast_in_dim3A = arith.constant 1.000000e+00 : f32
      %broadcast_in_dim3A_58 = vector.broadcast %broadcast_in_dim3A : f32 to vector<16xf32>
      %mul3A_59 = arith.constant 16 : i32
      %mul3A_60 = arith.muli %scan3A_56, %mul3A_59 : i32
      %swap3A = arith.index_cast %mul3A_60 : i32 to index
      %swap3A_61 = tpu.vector_load %arg5[%swap3A] {strides = array<i32>} : memref<80xf32, #tpu.memory_space<vmem>>, vector<16xf32>,
      %swap3A_62 = vector.shape_cast %swap3A_61 : vector<16xf32> to vector<16xf32>
      %swap3A_63 = vector.shape_cast %broadcast_in_dim3A_58 : vector<16xf32> to vector<16xf32>
      tpu.vector_store %arg5[%swap3A], %swap3A_63 {strides = array<i32>} : memref<80xf32, #tpu.memory_space<vmem>>, vector<16xf32>,
      %scan3A_64 = arith.constant 0 : i32
      scf.yield %scan3A_64 : i32
    }
    %scan3A_13 = arith.constant 5 : i32
    %scan3A_14 = arith.constant 0 : i32
    %scan3A_15 = arith.constant 0 : i32
    %scan3A_16 = arith.constant 40 : i32
    %scan3A_17 = arith.addi %scan3A_15, %scan3A_16 : i32
    %scan3A_18 = arith.constant 1 : i32
    %scan3A_19 = scf.for %scan3A_56 = %scan3A_15 to %scan3A_17 step %scan3A_18 iter_args(%scan3A_57 = %scan3A_14) -> (i32)  : i32 {
      %broadcast_in_dim3A = arith.constant 0.000000e+00 : f32
      %broadcast_in_dim3A_58 = vector.broadcast %broadcast_in_dim3A : f32 to vector<16xf32>
      %mul3A_59 = arith.constant 16 : i32
      %mul3A_60 = arith.muli %scan3A_56, %mul3A_59 : i32
      %swap3A = arith.index_cast %mul3A_60 : i32 to index
      %swap3A_61 = tpu.vector_load %arg6[%swap3A] {strides = array<i32>} : memref<640xf32, #tpu.memory_space<vmem>>, vector<16xf32>,
      %swap3A_62 = vector.shape_cast %swap3A_61 : vector<16xf32> to vector<16xf32>
      %swap3A_63 = vector.shape_cast %broadcast_in_dim3A_58 : vector<16xf32> to vector<16xf32>
      tpu.vector_store %arg6[%swap3A], %swap3A_63 {strides = array<i32>} : memref<640xf32, #tpu.memory_space<vmem>>, vector<16xf32>,
      %scan3A_64 = arith.constant 0 : i32
      scf.yield %scan3A_64 : i32
    }
    %scan3A_20 = arith.constant 40 : i32
    %mul3A_21 = arith.constant 640 : i32
    %mul3A_22 = arith.muli %arg1, %mul3A_21 : i32
    "tpu.region"() ({
      %run_scoped3A = tpu.sem_alloc : memref<!tpu.dma_semaphore, #tpu.memory_space<semaphore_mem>>
      %dma_start3A_56 = tpu.memref_slice %arg7[%mul3A_22] : memref<10240xf32, #tpu.memory_space<vmem_shared>> -> memref<640xf32, #tpu.memory_space<vmem_shared>>
      %dma_start3A_57 = tpu.memref_slice %arg7[%mul3A_22] : memref<10240xf32, #tpu.memory_space<vmem_shared>> -> memref<640xf32, #tpu.memory_space<vmem_shared>>
      tpu.enqueue_dma source(%arg6 : memref<640xf32, #tpu.memory_space<vmem>>) target(%dma_start3A_57 : memref<640xf32, #tpu.memory_space<vmem_shared>>) target_semaphore(%run_scoped3A : memref<!tpu.dma_semaphore, #tpu.memory_space<semaphore_mem>>)
      %dma_wait3A_58 = tpu.memref_slice %arg7[%mul3A_22] : memref<10240xf32, #tpu.memory_space<vmem_shared>> -> memref<640xf32, #tpu.memory_space<vmem_shared>>
      %dma_wait3A_59 = tpu.memref_slice %arg7[%mul3A_22] : memref<10240xf32, #tpu.memory_space<vmem_shared>> -> memref<640xf32, #tpu.memory_space<vmem_shared>>
      tpu.wait_dma2 semaphore(%run_scoped3A : memref<!tpu.dma_semaphore, #tpu.memory_space<semaphore_mem>>) src(%arg6 : memref<640xf32, #tpu.memory_space<vmem>>) dst(%dma_wait3A_59 : memref<640xf32, #tpu.memory_space<vmem_shared>>)
      tpu.yield
    }) : () -> ()
    %barrier3A = arith.constant 0 : index
    tpu.barrier barrier_id(%barrier3A)
    %dma_wait3A = arith.constant 0 : i32
    %dma_wait3A_23 = arith.constant 0 : i32
    %dma_wait3A_24 = tpu.memref_slice %arg2[%add3A, %dma_wait3A, %dma_wait3A_23] : memref<32x125x80xi32, #tpu.memory_space<hbm>> -> memref<1x125x80xi32, #tpu.memory_space<hbm>>
    %dma_wait3A_25 = tpu.memref_squeeze %dma_wait3A_24 : memref<1x125x80xi32, #tpu.memory_space<hbm>> -> memref<125x80xi32, #tpu.memory_space<hbm>>
    %dma_wait3A_26 = arith.constant 0 : i32
    %dma_wait3A_27 = arith.constant 0 : i32
    %dma_wait3A_28 = tpu.memref_slice %arg2[%add3A, %dma_wait3A_26, %dma_wait3A_27] : memref<32x125x80xi32, #tpu.memory_space<hbm>> -> memref<1x125x80xi32, #tpu.memory_space<hbm>>
    %dma_wait3A_29 = tpu.memref_squeeze %dma_wait3A_28 : memref<1x125x80xi32, #tpu.memory_space<hbm>> -> memref<125x80xi32, #tpu.memory_space<hbm>>
    tpu.wait_dma2 semaphore(%arg8 : memref<!tpu.dma_semaphore, #tpu.memory_space<semaphore_mem>>) src(%dma_wait3A_29 : memref<125x80xi32, #tpu.memory_space<hbm>>) dst(%arg4 : memref<125x80xi32, #tpu.memory_space<vmem>>)
    %scan3A_30 = arith.constant 0 : i32
    %scan3A_31 = arith.constant 0 : i32
    %scan3A_32 = arith.constant 8 : i32
    %scan3A_33 = arith.addi %scan3A_31, %scan3A_32 : i32
    %scan3A_34 = arith.constant 1 : i32
    %scan3A_35 = scf.for %scan3A_56 = %scan3A_31 to %scan3A_33 step %scan3A_34 iter_args(%scan3A_57 = %scan3A_30) -> (i32)  : i32 {
      %dma_start3A_58 = arith.constant 0 : i32
      %dma_start3A_59 = tpu.memref_slice %arg4[%scan3A_56, %dma_start3A_58] : memref<125x80xi32, #tpu.memory_space<vmem>> -> memref<1x80xi32, #tpu.memory_space<vmem>>
      %dma_start3A_60 = tpu.memref_squeeze %dma_start3A_59 : memref<1x80xi32, #tpu.memory_space<vmem>> -> memref<80xi32, #tpu.memory_space<vmem>>
      %dma_start3A_61 = arith.constant 0 : i32
      %dma_start3A_62 = tpu.memref_slice %arg7[%dma_start3A_61] : memref<10240xf32, #tpu.memory_space<vmem_shared>> -> memref<10240xf32, #tpu.memory_space<vmem_shared>>
      tpu.enqueue_indirect_dma source(%arg5 : memref<80xf32, #tpu.memory_space<vmem>>) target(%dma_start3A_62 : memref<10240xf32, #tpu.memory_space<vmem_shared>>) offsets(%dma_start3A_60 : memref<80xi32, #tpu.memory_space<vmem>>) semaphore(%arg9 : memref<!tpu.dma_semaphore, #tpu.memory_space<semaphore_mem>>) {add = true}
      %scan3A_63 = arith.constant 0 : i32
      scf.yield %scan3A_63 : i32
    }
    %scan3A_36 = arith.constant 8 : i32
    %scan3A_37 = arith.constant 0 : i32
    %scan3A_38 = arith.constant 8 : i32
    %scan3A_39 = arith.constant 117 : i32
    %scan3A_40 = arith.addi %scan3A_38, %scan3A_39 : i32
    %scan3A_41 = arith.constant 1 : i32
    %scan3A_42 = scf.for %scan3A_56 = %scan3A_38 to %scan3A_40 step %scan3A_41 iter_args(%scan3A_57 = %scan3A_37) -> (i32)  : i32 {
      %dma_start3A_58 = arith.constant 0 : i32
      %dma_start3A_59 = tpu.memref_slice %arg4[%scan3A_56, %dma_start3A_58] : memref<125x80xi32, #tpu.memory_space<vmem>> -> memref<1x80xi32, #tpu.memory_space<vmem>>
      %dma_start3A_60 = tpu.memref_squeeze %dma_start3A_59 : memref<1x80xi32, #tpu.memory_space<vmem>> -> memref<80xi32, #tpu.memory_space<vmem>>
      %dma_start3A_61 = arith.constant 0 : i32
      %dma_start3A_62 = tpu.memref_slice %arg7[%dma_start3A_61] : memref<10240xf32, #tpu.memory_space<vmem_shared>> -> memref<10240xf32, #tpu.memory_space<vmem_shared>>
      tpu.enqueue_indirect_dma source(%arg5 : memref<80xf32, #tpu.memory_space<vmem>>) target(%dma_start3A_62 : memref<10240xf32, #tpu.memory_space<vmem_shared>>) offsets(%dma_start3A_60 : memref<80xi32, #tpu.memory_space<vmem>>) semaphore(%arg9 : memref<!tpu.dma_semaphore, #tpu.memory_space<semaphore_mem>>) {add = true}
      %dma_wait3A_63 = arith.constant 0 : i32
      %dma_wait3A_64 = arith.constant 0 : i32
      %dma_wait3A_65 = tpu.memref_slice %arg4[%dma_wait3A_63, %dma_wait3A_64] : memref<125x80xi32, #tpu.memory_space<vmem>> -> memref<1x80xi32, #tpu.memory_space<vmem>>
      %dma_wait3A_66 = tpu.memref_squeeze %dma_wait3A_65 : memref<1x80xi32, #tpu.memory_space<vmem>> -> memref<80xi32, #tpu.memory_space<vmem>>
      %dma_wait3A_67 = arith.constant 0 : i32
      %dma_wait3A_68 = tpu.memref_slice %arg7[%dma_wait3A_67] : memref<10240xf32, #tpu.memory_space<vmem_shared>> -> memref<10240xf32, #tpu.memory_space<vmem_shared>>
      tpu.wait_indirect_dma semaphore(%arg9 : memref<!tpu.dma_semaphore, #tpu.memory_space<semaphore_mem>>) src(%arg5 : memref<80xf32, #tpu.memory_space<vmem>>) dst(%dma_wait3A_68 : memref<10240xf32, #tpu.memory_space<vmem_shared>>)
      %scan3A_69 = arith.constant 0 : i32
      scf.yield %scan3A_69 : i32
    }
    %scan3A_43 = arith.constant 117 : i32
    %scan3A_44 = arith.constant 0 : i32
    %scan3A_45 = arith.constant 0 : i32
    %scan3A_46 = arith.constant 8 : i32
    %scan3A_47 = arith.addi %scan3A_45, %scan3A_46 : i32
    %scan3A_48 = arith.constant 1 : i32
    %scan3A_49 = scf.for %scan3A_56 = %scan3A_45 to %scan3A_47 step %scan3A_48 iter_args(%scan3A_57 = %scan3A_44) -> (i32)  : i32 {
      %dma_wait3A_58 = arith.constant 0 : i32
      %dma_wait3A_59 = arith.constant 0 : i32
      %dma_wait3A_60 = tpu.memref_slice %arg4[%dma_wait3A_58, %dma_wait3A_59] : memref<125x80xi32, #tpu.memory_space<vmem>> -> memref<1x80xi32, #tpu.memory_space<vmem>>
      %dma_wait3A_61 = tpu.memref_squeeze %dma_wait3A_60 : memref<1x80xi32, #tpu.memory_space<vmem>> -> memref<80xi32, #tpu.memory_space<vmem>>
      %dma_wait3A_62 = arith.constant 0 : i32
      %dma_wait3A_63 = tpu.memref_slice %arg7[%dma_wait3A_62] : memref<10240xf32, #tpu.memory_space<vmem_shared>> -> memref<10240xf32, #tpu.memory_space<vmem_shared>>
      tpu.wait_indirect_dma semaphore(%arg9 : memref<!tpu.dma_semaphore, #tpu.memory_space<semaphore_mem>>) src(%arg5 : memref<80xf32, #tpu.memory_space<vmem>>) dst(%dma_wait3A_63 : memref<10240xf32, #tpu.memory_space<vmem_shared>>)
      %scan3A_64 = arith.constant 0 : i32
      scf.yield %scan3A_64 : i32
    }
    %scan3A_50 = arith.constant 8 : i32
    %barrier3A_51 = arith.constant 0 : index
    tpu.barrier barrier_id(%barrier3A_51)
    %mul3A_52 = arith.constant 640 : i32
    %mul3A_53 = arith.muli %arg1, %mul3A_52 : i32
    %mul3A_54 = arith.constant 640 : i32
    %mul3A_55 = arith.muli %arg1, %mul3A_54 : i32
    "tpu.region"() ({
      %run_scoped3A = tpu.sem_alloc : memref<!tpu.dma_semaphore, #tpu.memory_space<semaphore_mem>>
      %dma_start3A_56 = tpu.memref_slice %arg3[%arg0, %mul3A_55] : memref<2x10240xf32, #tpu.memory_space<hbm>> -> memref<1x640xf32, #tpu.memory_space<hbm>>
      %dma_start3A_57 = tpu.memref_squeeze %dma_start3A_56 : memref<1x640xf32, #tpu.memory_space<hbm>> -> memref<640xf32, #tpu.memory_space<hbm>>
      %dma_start3A_58 = tpu.memref_slice %arg7[%mul3A_53] : memref<10240xf32, #tpu.memory_space<vmem_shared>> -> memref<640xf32, #tpu.memory_space<vmem_shared>>
      tpu.enqueue_dma source(%dma_start3A_58 : memref<640xf32, #tpu.memory_space<vmem_shared>>) target(%dma_start3A_57 : memref<640xf32, #tpu.memory_space<hbm>>) target_semaphore(%run_scoped3A : memref<!tpu.dma_semaphore, #tpu.memory_space<semaphore_mem>>)
      %dma_wait3A_59 = tpu.memref_slice %arg3[%arg0, %mul3A_55] : memref<2x10240xf32, #tpu.memory_space<hbm>> -> memref<1x640xf32, #tpu.memory_space<hbm>>
      %dma_wait3A_60 = tpu.memref_squeeze %dma_wait3A_59 : memref<1x640xf32, #tpu.memory_space<hbm>> -> memref<640xf32, #tpu.memory_space<hbm>>
      %dma_wait3A_61 = tpu.memref_slice %arg7[%mul3A_53] : memref<10240xf32, #tpu.memory_space<vmem_shared>> -> memref<640xf32, #tpu.memory_space<vmem_shared>>
      tpu.wait_dma2 semaphore(%run_scoped3A : memref<!tpu.dma_semaphore, #tpu.memory_space<semaphore_mem>>) src(%dma_wait3A_61 : memref<640xf32, #tpu.memory_space<vmem_shared>>) dst(%dma_wait3A_60 : memref<640xf32, #tpu.memory_space<hbm>>)
      tpu.yield
    }) : () -> ()
    return
  }
}

#map = affine_map<(d0, d1) -> (0, 0)>
#map1 = affine_map<(d0, d1) -> (0, 0, 0)>
module attributes {stable_mosaic.version = 14 : i64} {
  func.func @_z_body(%arg0: i32, %arg1: i32, %arg2: memref<10000x128xf32, #tpu.memory_space<hbm>>, %arg3: memref<32x125x80xi32, #tpu.memory_space<hbm>>, %arg4: memref<2x10240x128xf32, #tpu.memory_space<hbm>>, %arg5: memref<125x80xi32, #tpu.memory_space<vmem>>, %arg6: memref<80xi32, #tpu.memory_space<vmem>>, %arg7: memref<80xi32, #tpu.memory_space<vmem>>, %arg8: memref<80xi32, #tpu.memory_space<vmem>>, %arg9: memref<80xi32, #tpu.memory_space<vmem>>, %arg10: memref<80x128xf32, #tpu.memory_space<vmem>>, %arg11: memref<80x128xf32, #tpu.memory_space<vmem>>, %arg12: memref<10240x128xf32, #tpu.memory_space<vmem_shared>>, %arg13: memref<!tpu.dma_semaphore, #tpu.memory_space<semaphore_mem>>, %arg14: memref<!tpu.dma_semaphore, #tpu.memory_space<semaphore_mem>>, %arg15: memref<!tpu.dma_semaphore, #tpu.memory_space<semaphore_mem>>, %arg16: memref<!tpu.dma_semaphore, #tpu.memory_space<semaphore_mem>>, %arg17: memref<!tpu.dma_semaphore, #tpu.memory_space<semaphore_mem>>, %arg18: memref<!tpu.dma_semaphore, #tpu.memory_space<semaphore_mem>>, %arg19: memref<!tpu.dma_semaphore, #tpu.memory_space<semaphore_mem>>, %arg20: memref<!tpu.dma_semaphore, #tpu.memory_space<semaphore_mem>>) attributes {dimension_semantics = [#tpu.dimension_semantics<core_parallel>, #tpu.dimension_semantics<subcore_parallel>], iteration_bounds = array<i64: 2, 16>, scalar_prefetch = 0 : i64, scratch_operands = 16 : i64, tpu.core_type = #tpu.core_type<sc_vector_subcore>, window_params = [{transform_indices = #map}, {transform_indices = #map1}, {transform_indices = #map1}]} {
    %mul3A = arith.constant 2 : i32
    %mul3A_0 = arith.muli %arg1, %mul3A : i32
    %add3A = arith.addi %mul3A_0, %arg0 : i32
    %dma_start3A = arith.constant 0 : i32
    %dma_start3A_1 = arith.constant 0 : i32
    %dma_start3A_2 = tpu.memref_slice %arg3[%add3A, %dma_start3A, %dma_start3A_1] : memref<32x125x80xi32, #tpu.memory_space<hbm>> -> memref<1x125x80xi32, #tpu.memory_space<hbm>>
    %dma_start3A_3 = tpu.memref_squeeze %dma_start3A_2 : memref<1x125x80xi32, #tpu.memory_space<hbm>> -> memref<125x80xi32, #tpu.memory_space<hbm>>
    %dma_start3A_4 = arith.constant 0 : i32
    %dma_start3A_5 = arith.constant 0 : i32
    %dma_start3A_6 = tpu.memref_slice %arg3[%add3A, %dma_start3A_4, %dma_start3A_5] : memref<32x125x80xi32, #tpu.memory_space<hbm>> -> memref<1x125x80xi32, #tpu.memory_space<hbm>>
    %dma_start3A_7 = tpu.memref_squeeze %dma_start3A_6 : memref<1x125x80xi32, #tpu.memory_space<hbm>> -> memref<125x80xi32, #tpu.memory_space<hbm>>
    tpu.enqueue_dma source(%dma_start3A_7 : memref<125x80xi32, #tpu.memory_space<hbm>>) target(%arg5 : memref<125x80xi32, #tpu.memory_space<vmem>>) target_semaphore(%arg18 : memref<!tpu.dma_semaphore, #tpu.memory_space<semaphore_mem>>)
    %scan3A = arith.constant 0 : i32
    %scan3A_8 = arith.constant 0 : i32
    %scan3A_9 = arith.constant 80 : i32
    %scan3A_10 = arith.addi %scan3A_8, %scan3A_9 : i32
    %scan3A_11 = arith.constant 1 : i32
    %scan3A_12 = scf.for %scan3A_296 = %scan3A_8 to %scan3A_10 step %scan3A_11 iter_args(%scan3A_297 = %scan3A) -> (i32)  : i32 {
      %broadcast_in_dim3A = arith.constant 0.000000e+00 : f32
      %broadcast_in_dim3A_298 = vector.broadcast %broadcast_in_dim3A : f32 to vector<16xf32>
      %swap3A = arith.index_cast %scan3A_296 : i32 to index
      %swap3A_299 = arith.constant 0 : index
      %swap3A_300 = tpu.vector_load %arg11[%swap3A, %swap3A_299] {strides = array<i32>} : memref<80x128xf32, #tpu.memory_space<vmem>>, vector<1x16xf32>,
      %swap3A_301 = vector.shape_cast %swap3A_300 : vector<1x16xf32> to vector<16xf32>
      %swap3A_302 = vector.shape_cast %broadcast_in_dim3A_298 : vector<16xf32> to vector<1x16xf32>
      tpu.vector_store %arg11[%swap3A, %swap3A_299], %swap3A_302 {strides = array<i32>} : memref<80x128xf32, #tpu.memory_space<vmem>>, vector<1x16xf32>,
      %broadcast_in_dim3A_303 = arith.constant 0.000000e+00 : f32
      %broadcast_in_dim3A_304 = vector.broadcast %broadcast_in_dim3A_303 : f32 to vector<16xf32>
      %swap3A_305 = arith.index_cast %scan3A_296 : i32 to index
      %swap3A_306 = arith.constant 16 : index
      %swap3A_307 = tpu.vector_load %arg11[%swap3A_305, %swap3A_306] {strides = array<i32>} : memref<80x128xf32, #tpu.memory_space<vmem>>, vector<1x16xf32>,
      %swap3A_308 = vector.shape_cast %swap3A_307 : vector<1x16xf32> to vector<16xf32>
      %swap3A_309 = vector.shape_cast %broadcast_in_dim3A_304 : vector<16xf32> to vector<1x16xf32>
      tpu.vector_store %arg11[%swap3A_305, %swap3A_306], %swap3A_309 {strides = array<i32>} : memref<80x128xf32, #tpu.memory_space<vmem>>, vector<1x16xf32>,
      %broadcast_in_dim3A_310 = arith.constant 0.000000e+00 : f32
      %broadcast_in_dim3A_311 = vector.broadcast %broadcast_in_dim3A_310 : f32 to vector<16xf32>
      %swap3A_312 = arith.index_cast %scan3A_296 : i32 to index
      %swap3A_313 = arith.constant 32 : index
      %swap3A_314 = tpu.vector_load %arg11[%swap3A_312, %swap3A_313] {strides = array<i32>} : memref<80x128xf32, #tpu.memory_space<vmem>>, vector<1x16xf32>,
      %swap3A_315 = vector.shape_cast %swap3A_314 : vector<1x16xf32> to vector<16xf32>
      %swap3A_316 = vector.shape_cast %broadcast_in_dim3A_311 : vector<16xf32> to vector<1x16xf32>
      tpu.vector_store %arg11[%swap3A_312, %swap3A_313], %swap3A_316 {strides = array<i32>} : memref<80x128xf32, #tpu.memory_space<vmem>>, vector<1x16xf32>,
      %broadcast_in_dim3A_317 = arith.constant 0.000000e+00 : f32
      %broadcast_in_dim3A_318 = vector.broadcast %broadcast_in_dim3A_317 : f32 to vector<16xf32>
      %swap3A_319 = arith.index_cast %scan3A_296 : i32 to index
      %swap3A_320 = arith.constant 48 : index
      %swap3A_321 = tpu.vector_load %arg11[%swap3A_319, %swap3A_320] {strides = array<i32>} : memref<80x128xf32, #tpu.memory_space<vmem>>, vector<1x16xf32>,
      %swap3A_322 = vector.shape_cast %swap3A_321 : vector<1x16xf32> to vector<16xf32>
      %swap3A_323 = vector.shape_cast %broadcast_in_dim3A_318 : vector<16xf32> to vector<1x16xf32>
      tpu.vector_store %arg11[%swap3A_319, %swap3A_320], %swap3A_323 {strides = array<i32>} : memref<80x128xf32, #tpu.memory_space<vmem>>, vector<1x16xf32>,
      %broadcast_in_dim3A_324 = arith.constant 0.000000e+00 : f32
      %broadcast_in_dim3A_325 = vector.broadcast %broadcast_in_dim3A_324 : f32 to vector<16xf32>
      %swap3A_326 = arith.index_cast %scan3A_296 : i32 to index
      %swap3A_327 = arith.constant 64 : index
      %swap3A_328 = tpu.vector_load %arg11[%swap3A_326, %swap3A_327] {strides = array<i32>} : memref<80x128xf32, #tpu.memory_space<vmem>>, vector<1x16xf32>,
      %swap3A_329 = vector.shape_cast %swap3A_328 : vector<1x16xf32> to vector<16xf32>
      %swap3A_330 = vector.shape_cast %broadcast_in_dim3A_325 : vector<16xf32> to vector<1x16xf32>
      tpu.vector_store %arg11[%swap3A_326, %swap3A_327], %swap3A_330 {strides = array<i32>} : memref<80x128xf32, #tpu.memory_space<vmem>>, vector<1x16xf32>,
      %broadcast_in_dim3A_331 = arith.constant 0.000000e+00 : f32
      %broadcast_in_dim3A_332 = vector.broadcast %broadcast_in_dim3A_331 : f32 to vector<16xf32>
      %swap3A_333 = arith.index_cast %scan3A_296 : i32 to index
      %swap3A_334 = arith.constant 80 : index
      %swap3A_335 = tpu.vector_load %arg11[%swap3A_333, %swap3A_334] {strides = array<i32>} : memref<80x128xf32, #tpu.memory_space<vmem>>, vector<1x16xf32>,
      %swap3A_336 = vector.shape_cast %swap3A_335 : vector<1x16xf32> to vector<16xf32>
      %swap3A_337 = vector.shape_cast %broadcast_in_dim3A_332 : vector<16xf32> to vector<1x16xf32>
      tpu.vector_store %arg11[%swap3A_333, %swap3A_334], %swap3A_337 {strides = array<i32>} : memref<80x128xf32, #tpu.memory_space<vmem>>, vector<1x16xf32>,
      %broadcast_in_dim3A_338 = arith.constant 0.000000e+00 : f32
      %broadcast_in_dim3A_339 = vector.broadcast %broadcast_in_dim3A_338 : f32 to vector<16xf32>
      %swap3A_340 = arith.index_cast %scan3A_296 : i32 to index
      %swap3A_341 = arith.constant 96 : index
      %swap3A_342 = tpu.vector_load %arg11[%swap3A_340, %swap3A_341] {strides = array<i32>} : memref<80x128xf32, #tpu.memory_space<vmem>>, vector<1x16xf32>,
      %swap3A_343 = vector.shape_cast %swap3A_342 : vector<1x16xf32> to vector<16xf32>
      %swap3A_344 = vector.shape_cast %broadcast_in_dim3A_339 : vector<16xf32> to vector<1x16xf32>
      tpu.vector_store %arg11[%swap3A_340, %swap3A_341], %swap3A_344 {strides = array<i32>} : memref<80x128xf32, #tpu.memory_space<vmem>>, vector<1x16xf32>,
      %broadcast_in_dim3A_345 = arith.constant 0.000000e+00 : f32
      %broadcast_in_dim3A_346 = vector.broadcast %broadcast_in_dim3A_345 : f32 to vector<16xf32>
      %swap3A_347 = arith.index_cast %scan3A_296 : i32 to index
      %swap3A_348 = arith.constant 112 : index
      %swap3A_349 = tpu.vector_load %arg11[%swap3A_347, %swap3A_348] {strides = array<i32>} : memref<80x128xf32, #tpu.memory_space<vmem>>, vector<1x16xf32>,
      %swap3A_350 = vector.shape_cast %swap3A_349 : vector<1x16xf32> to vector<16xf32>
      %swap3A_351 = vector.shape_cast %broadcast_in_dim3A_346 : vector<16xf32> to vector<1x16xf32>
      tpu.vector_store %arg11[%swap3A_347, %swap3A_348], %swap3A_351 {strides = array<i32>} : memref<80x128xf32, #tpu.memory_space<vmem>>, vector<1x16xf32>,
      %scan3A_352 = arith.constant 0 : i32
      scf.yield %scan3A_352 : i32
    }
    %scan3A_13 = arith.constant 80 : i32
    %mul3A_14 = arith.constant 640 : i32
    %mul3A_15 = arith.muli %arg1, %mul3A_14 : i32
    %add3A_16 = arith.constant 0 : i32
    %add3A_17 = arith.addi %mul3A_15, %add3A_16 : i32
    %dma_start3A_18 = arith.constant 0 : i32
    %dma_start3A_19 = tpu.memref_slice %arg12[%add3A_17, %dma_start3A_18] : memref<10240x128xf32, #tpu.memory_space<vmem_shared>> -> memref<80x128xf32, #tpu.memory_space<vmem_shared>>
    %dma_start3A_20 = arith.constant 0 : i32
    %dma_start3A_21 = tpu.memref_slice %arg12[%add3A_17, %dma_start3A_20] : memref<10240x128xf32, #tpu.memory_space<vmem_shared>> -> memref<80x128xf32, #tpu.memory_space<vmem_shared>>
    tpu.enqueue_dma source(%arg11 : memref<80x128xf32, #tpu.memory_space<vmem>>) target(%dma_start3A_21 : memref<80x128xf32, #tpu.memory_space<vmem_shared>>) target_semaphore(%arg17 : memref<!tpu.dma_semaphore, #tpu.memory_space<semaphore_mem>>)
    %mul3A_22 = arith.constant 640 : i32
    %mul3A_23 = arith.muli %arg1, %mul3A_22 : i32
    %add3A_24 = arith.constant 80 : i32
    %add3A_25 = arith.addi %mul3A_23, %add3A_24 : i32
    %dma_start3A_26 = arith.constant 0 : i32
    %dma_start3A_27 = tpu.memref_slice %arg12[%add3A_25, %dma_start3A_26] : memref<10240x128xf32, #tpu.memory_space<vmem_shared>> -> memref<80x128xf32, #tpu.memory_space<vmem_shared>>
    %dma_start3A_28 = arith.constant 0 : i32
    %dma_start3A_29 = tpu.memref_slice %arg12[%add3A_25, %dma_start3A_28] : memref<10240x128xf32, #tpu.memory_space<vmem_shared>> -> memref<80x128xf32, #tpu.memory_space<vmem_shared>>
    tpu.enqueue_dma source(%arg11 : memref<80x128xf32, #tpu.memory_space<vmem>>) target(%dma_start3A_29 : memref<80x128xf32, #tpu.memory_space<vmem_shared>>) target_semaphore(%arg17 : memref<!tpu.dma_semaphore, #tpu.memory_space<semaphore_mem>>)
    %mul3A_30 = arith.constant 640 : i32
    %mul3A_31 = arith.muli %arg1, %mul3A_30 : i32
    %add3A_32 = arith.constant 160 : i32
    %add3A_33 = arith.addi %mul3A_31, %add3A_32 : i32
    %dma_start3A_34 = arith.constant 0 : i32
    %dma_start3A_35 = tpu.memref_slice %arg12[%add3A_33, %dma_start3A_34] : memref<10240x128xf32, #tpu.memory_space<vmem_shared>> -> memref<80x128xf32, #tpu.memory_space<vmem_shared>>
    %dma_start3A_36 = arith.constant 0 : i32
    %dma_start3A_37 = tpu.memref_slice %arg12[%add3A_33, %dma_start3A_36] : memref<10240x128xf32, #tpu.memory_space<vmem_shared>> -> memref<80x128xf32, #tpu.memory_space<vmem_shared>>
    tpu.enqueue_dma source(%arg11 : memref<80x128xf32, #tpu.memory_space<vmem>>) target(%dma_start3A_37 : memref<80x128xf32, #tpu.memory_space<vmem_shared>>) target_semaphore(%arg17 : memref<!tpu.dma_semaphore, #tpu.memory_space<semaphore_mem>>)
    %mul3A_38 = arith.constant 640 : i32
    %mul3A_39 = arith.muli %arg1, %mul3A_38 : i32
    %add3A_40 = arith.constant 240 : i32
    %add3A_41 = arith.addi %mul3A_39, %add3A_40 : i32
    %dma_start3A_42 = arith.constant 0 : i32
    %dma_start3A_43 = tpu.memref_slice %arg12[%add3A_41, %dma_start3A_42] : memref<10240x128xf32, #tpu.memory_space<vmem_shared>> -> memref<80x128xf32, #tpu.memory_space<vmem_shared>>
    %dma_start3A_44 = arith.constant 0 : i32
    %dma_start3A_45 = tpu.memref_slice %arg12[%add3A_41, %dma_start3A_44] : memref<10240x128xf32, #tpu.memory_space<vmem_shared>> -> memref<80x128xf32, #tpu.memory_space<vmem_shared>>
    tpu.enqueue_dma source(%arg11 : memref<80x128xf32, #tpu.memory_space<vmem>>) target(%dma_start3A_45 : memref<80x128xf32, #tpu.memory_space<vmem_shared>>) target_semaphore(%arg17 : memref<!tpu.dma_semaphore, #tpu.memory_space<semaphore_mem>>)
    %mul3A_46 = arith.constant 640 : i32
    %mul3A_47 = arith.muli %arg1, %mul3A_46 : i32
    %add3A_48 = arith.constant 320 : i32
    %add3A_49 = arith.addi %mul3A_47, %add3A_48 : i32
    %dma_start3A_50 = arith.constant 0 : i32
    %dma_start3A_51 = tpu.memref_slice %arg12[%add3A_49, %dma_start3A_50] : memref<10240x128xf32, #tpu.memory_space<vmem_shared>> -> memref<80x128xf32, #tpu.memory_space<vmem_shared>>
    %dma_start3A_52 = arith.constant 0 : i32
    %dma_start3A_53 = tpu.memref_slice %arg12[%add3A_49, %dma_start3A_52] : memref<10240x128xf32, #tpu.memory_space<vmem_shared>> -> memref<80x128xf32, #tpu.memory_space<vmem_shared>>
    tpu.enqueue_dma source(%arg11 : memref<80x128xf32, #tpu.memory_space<vmem>>) target(%dma_start3A_53 : memref<80x128xf32, #tpu.memory_space<vmem_shared>>) target_semaphore(%arg17 : memref<!tpu.dma_semaphore, #tpu.memory_space<semaphore_mem>>)
    %mul3A_54 = arith.constant 640 : i32
    %mul3A_55 = arith.muli %arg1, %mul3A_54 : i32
    %add3A_56 = arith.constant 400 : i32
    %add3A_57 = arith.addi %mul3A_55, %add3A_56 : i32
    %dma_start3A_58 = arith.constant 0 : i32
    %dma_start3A_59 = tpu.memref_slice %arg12[%add3A_57, %dma_start3A_58] : memref<10240x128xf32, #tpu.memory_space<vmem_shared>> -> memref<80x128xf32, #tpu.memory_space<vmem_shared>>
    %dma_start3A_60 = arith.constant 0 : i32
    %dma_start3A_61 = tpu.memref_slice %arg12[%add3A_57, %dma_start3A_60] : memref<10240x128xf32, #tpu.memory_space<vmem_shared>> -> memref<80x128xf32, #tpu.memory_space<vmem_shared>>
    tpu.enqueue_dma source(%arg11 : memref<80x128xf32, #tpu.memory_space<vmem>>) target(%dma_start3A_61 : memref<80x128xf32, #tpu.memory_space<vmem_shared>>) target_semaphore(%arg17 : memref<!tpu.dma_semaphore, #tpu.memory_space<semaphore_mem>>)
    %mul3A_62 = arith.constant 640 : i32
    %mul3A_63 = arith.muli %arg1, %mul3A_62 : i32
    %add3A_64 = arith.constant 480 : i32
    %add3A_65 = arith.addi %mul3A_63, %add3A_64 : i32
    %dma_start3A_66 = arith.constant 0 : i32
    %dma_start3A_67 = tpu.memref_slice %arg12[%add3A_65, %dma_start3A_66] : memref<10240x128xf32, #tpu.memory_space<vmem_shared>> -> memref<80x128xf32, #tpu.memory_space<vmem_shared>>
    %dma_start3A_68 = arith.constant 0 : i32
    %dma_start3A_69 = tpu.memref_slice %arg12[%add3A_65, %dma_start3A_68] : memref<10240x128xf32, #tpu.memory_space<vmem_shared>> -> memref<80x128xf32, #tpu.memory_space<vmem_shared>>
    tpu.enqueue_dma source(%arg11 : memref<80x128xf32, #tpu.memory_space<vmem>>) target(%dma_start3A_69 : memref<80x128xf32, #tpu.memory_space<vmem_shared>>) target_semaphore(%arg17 : memref<!tpu.dma_semaphore, #tpu.memory_space<semaphore_mem>>)
    %mul3A_70 = arith.constant 640 : i32
    %mul3A_71 = arith.muli %arg1, %mul3A_70 : i32
    %add3A_72 = arith.constant 560 : i32
    %add3A_73 = arith.addi %mul3A_71, %add3A_72 : i32
    %dma_start3A_74 = arith.constant 0 : i32
    %dma_start3A_75 = tpu.memref_slice %arg12[%add3A_73, %dma_start3A_74] : memref<10240x128xf32, #tpu.memory_space<vmem_shared>> -> memref<80x128xf32, #tpu.memory_space<vmem_shared>>
    %dma_start3A_76 = arith.constant 0 : i32
    %dma_start3A_77 = tpu.memref_slice %arg12[%add3A_73, %dma_start3A_76] : memref<10240x128xf32, #tpu.memory_space<vmem_shared>> -> memref<80x128xf32, #tpu.memory_space<vmem_shared>>
    tpu.enqueue_dma source(%arg11 : memref<80x128xf32, #tpu.memory_space<vmem>>) target(%dma_start3A_77 : memref<80x128xf32, #tpu.memory_space<vmem_shared>>) target_semaphore(%arg17 : memref<!tpu.dma_semaphore, #tpu.memory_space<semaphore_mem>>)
    %dma_wait3A = arith.constant 0 : i32
    %dma_wait3A_78 = arith.constant 0 : i32
    %dma_wait3A_79 = tpu.memref_slice %arg3[%add3A, %dma_wait3A, %dma_wait3A_78] : memref<32x125x80xi32, #tpu.memory_space<hbm>> -> memref<1x125x80xi32, #tpu.memory_space<hbm>>
    %dma_wait3A_80 = tpu.memref_squeeze %dma_wait3A_79 : memref<1x125x80xi32, #tpu.memory_space<hbm>> -> memref<125x80xi32, #tpu.memory_space<hbm>>
    %dma_wait3A_81 = arith.constant 0 : i32
    %dma_wait3A_82 = arith.constant 0 : i32
    %dma_wait3A_83 = tpu.memref_slice %arg3[%add3A, %dma_wait3A_81, %dma_wait3A_82] : memref<32x125x80xi32, #tpu.memory_space<hbm>> -> memref<1x125x80xi32, #tpu.memory_space<hbm>>
    %dma_wait3A_84 = tpu.memref_squeeze %dma_wait3A_83 : memref<1x125x80xi32, #tpu.memory_space<hbm>> -> memref<125x80xi32, #tpu.memory_space<hbm>>
    tpu.wait_dma2 semaphore(%arg18 : memref<!tpu.dma_semaphore, #tpu.memory_space<semaphore_mem>>) src(%dma_wait3A_84 : memref<125x80xi32, #tpu.memory_space<hbm>>) dst(%arg5 : memref<125x80xi32, #tpu.memory_space<vmem>>)
    %scan3A_85 = arith.constant 0 : i32
    %scan3A_86 = arith.constant 0 : i32
    %scan3A_87 = arith.constant 5 : i32
    %scan3A_88 = arith.addi %scan3A_86, %scan3A_87 : i32
    %scan3A_89 = arith.constant 1 : i32
    %scan3A_90 = scf.for %scan3A_296 = %scan3A_86 to %scan3A_88 step %scan3A_89 iter_args(%scan3A_297 = %scan3A_85) -> (i32)  : i32 {
      %mul3A_298 = arith.constant 16 : i32
      %mul3A_299 = arith.muli %scan3A_296, %mul3A_298 : i32
      %get3A = arith.constant 0 : i32
      %get3A_300 = arith.index_cast %get3A : i32 to index
      %get3A_301 = arith.index_cast %mul3A_299 : i32 to index
      %get3A_302 = tpu.vector_load %arg5[%get3A_300, %get3A_301] {strides = array<i32>} : memref<125x80xi32, #tpu.memory_space<vmem>>, vector<1x16xi32>,
      %get3A_303 = vector.shape_cast %get3A_302 : vector<1x16xi32> to vector<16xi32>
      %and3A = arith.constant 65535 : i32
      %and3A_304 = vector.broadcast %and3A : i32 to vector<16xi32>
      %and3A_305 = arith.andi %get3A_303, %and3A_304 : vector<16xi32>
      %mul3A_306 = arith.constant 16 : i32
      %mul3A_307 = arith.muli %scan3A_296, %mul3A_306 : i32
      %swap3A = arith.index_cast %mul3A_307 : i32 to index
      %swap3A_308 = tpu.vector_load %arg6[%swap3A] {strides = array<i32>} : memref<80xi32, #tpu.memory_space<vmem>>, vector<16xi32>,
      %swap3A_309 = vector.shape_cast %swap3A_308 : vector<16xi32> to vector<16xi32>
      %swap3A_310 = vector.shape_cast %and3A_305 : vector<16xi32> to vector<16xi32>
      tpu.vector_store %arg6[%swap3A], %swap3A_310 {strides = array<i32>} : memref<80xi32, #tpu.memory_space<vmem>>, vector<16xi32>,
      %shift_right_logical3A = arith.constant 16 : i32
      %shift_right_logical3A_311 = vector.broadcast %shift_right_logical3A : i32 to vector<16xi32>
      %shift_right_logical3A_312 = arith.shrui %get3A_303, %shift_right_logical3A_311 : vector<16xi32>
      %mul3A_313 = arith.constant 16 : i32
      %mul3A_314 = arith.muli %scan3A_296, %mul3A_313 : i32
      %swap3A_315 = arith.index_cast %mul3A_314 : i32 to index
      %swap3A_316 = tpu.vector_load %arg7[%swap3A_315] {strides = array<i32>} : memref<80xi32, #tpu.memory_space<vmem>>, vector<16xi32>,
      %swap3A_317 = vector.shape_cast %swap3A_316 : vector<16xi32> to vector<16xi32>
      %swap3A_318 = vector.shape_cast %shift_right_logical3A_312 : vector<16xi32> to vector<16xi32>
      tpu.vector_store %arg7[%swap3A_315], %swap3A_318 {strides = array<i32>} : memref<80xi32, #tpu.memory_space<vmem>>, vector<16xi32>,
      %scan3A_319 = arith.constant 0 : i32
      scf.yield %scan3A_319 : i32
    }
    %scan3A_91 = arith.constant 5 : i32
    %dma_start3A_92 = arith.constant 0 : i32
    %dma_start3A_93 = arith.constant 0 : i32
    %dma_start3A_94 = tpu.memref_slice %arg10[%dma_start3A_92, %dma_start3A_93] : memref<80x128xf32, #tpu.memory_space<vmem>> -> memref<40x128xf32, #tpu.memory_space<vmem>>
    %dma_start3A_95 = arith.constant 0 : i32
    %dma_start3A_96 = tpu.memref_slice %arg6[%dma_start3A_95] : memref<80xi32, #tpu.memory_space<vmem>> -> memref<40xi32, #tpu.memory_space<vmem>>
    %dma_start3A_97 = arith.constant 0 : i32
    %dma_start3A_98 = arith.constant 0 : i32
    %dma_start3A_99 = tpu.memref_slice %arg2[%dma_start3A_97, %dma_start3A_98] : memref<10000x128xf32, #tpu.memory_space<hbm>> -> memref<10000x128xf32, #tpu.memory_space<hbm>>
    tpu.enqueue_indirect_dma source(%dma_start3A_99 : memref<10000x128xf32, #tpu.memory_space<hbm>>) target(%dma_start3A_94 : memref<40x128xf32, #tpu.memory_space<vmem>>) offsets(%dma_start3A_96 : memref<40xi32, #tpu.memory_space<vmem>>) semaphore(%arg13 : memref<!tpu.dma_semaphore, #tpu.memory_space<semaphore_mem>>)
    %dma_start3A_100 = arith.constant 40 : i32
    %dma_start3A_101 = arith.constant 0 : i32
    %dma_start3A_102 = tpu.memref_slice %arg10[%dma_start3A_100, %dma_start3A_101] : memref<80x128xf32, #tpu.memory_space<vmem>> -> memref<40x128xf32, #tpu.memory_space<vmem>>
    %dma_start3A_103 = arith.constant 40 : i32
    %dma_start3A_104 = tpu.memref_slice %arg6[%dma_start3A_103] : memref<80xi32, #tpu.memory_space<vmem>> -> memref<40xi32, #tpu.memory_space<vmem>>
    %dma_start3A_105 = arith.constant 0 : i32
    %dma_start3A_106 = arith.constant 0 : i32
    %dma_start3A_107 = tpu.memref_slice %arg2[%dma_start3A_105, %dma_start3A_106] : memref<10000x128xf32, #tpu.memory_space<hbm>> -> memref<10000x128xf32, #tpu.memory_space<hbm>>
    tpu.enqueue_indirect_dma source(%dma_start3A_107 : memref<10000x128xf32, #tpu.memory_space<hbm>>) target(%dma_start3A_102 : memref<40x128xf32, #tpu.memory_space<vmem>>) offsets(%dma_start3A_104 : memref<40xi32, #tpu.memory_space<vmem>>) semaphore(%arg19 : memref<!tpu.dma_semaphore, #tpu.memory_space<semaphore_mem>>)
    %mul3A_108 = arith.constant 640 : i32
    %mul3A_109 = arith.muli %arg1, %mul3A_108 : i32
    %add3A_110 = arith.constant 0 : i32
    %add3A_111 = arith.addi %mul3A_109, %add3A_110 : i32
    %dma_wait3A_112 = arith.constant 0 : i32
    %dma_wait3A_113 = tpu.memref_slice %arg12[%add3A_111, %dma_wait3A_112] : memref<10240x128xf32, #tpu.memory_space<vmem_shared>> -> memref<80x128xf32, #tpu.memory_space<vmem_shared>>
    %dma_wait3A_114 = arith.constant 0 : i32
    %dma_wait3A_115 = tpu.memref_slice %arg12[%add3A_111, %dma_wait3A_114] : memref<10240x128xf32, #tpu.memory_space<vmem_shared>> -> memref<80x128xf32, #tpu.memory_space<vmem_shared>>
    tpu.wait_dma2 semaphore(%arg17 : memref<!tpu.dma_semaphore, #tpu.memory_space<semaphore_mem>>) src(%arg11 : memref<80x128xf32, #tpu.memory_space<vmem>>) dst(%dma_wait3A_115 : memref<80x128xf32, #tpu.memory_space<vmem_shared>>)
    %mul3A_116 = arith.constant 640 : i32
    %mul3A_117 = arith.muli %arg1, %mul3A_116 : i32
    %add3A_118 = arith.constant 80 : i32
    %add3A_119 = arith.addi %mul3A_117, %add3A_118 : i32
    %dma_wait3A_120 = arith.constant 0 : i32
    %dma_wait3A_121 = tpu.memref_slice %arg12[%add3A_119, %dma_wait3A_120] : memref<10240x128xf32, #tpu.memory_space<vmem_shared>> -> memref<80x128xf32, #tpu.memory_space<vmem_shared>>
    %dma_wait3A_122 = arith.constant 0 : i32
    %dma_wait3A_123 = tpu.memref_slice %arg12[%add3A_119, %dma_wait3A_122] : memref<10240x128xf32, #tpu.memory_space<vmem_shared>> -> memref<80x128xf32, #tpu.memory_space<vmem_shared>>
    tpu.wait_dma2 semaphore(%arg17 : memref<!tpu.dma_semaphore, #tpu.memory_space<semaphore_mem>>) src(%arg11 : memref<80x128xf32, #tpu.memory_space<vmem>>) dst(%dma_wait3A_123 : memref<80x128xf32, #tpu.memory_space<vmem_shared>>)
    %mul3A_124 = arith.constant 640 : i32
    %mul3A_125 = arith.muli %arg1, %mul3A_124 : i32
    %add3A_126 = arith.constant 160 : i32
    %add3A_127 = arith.addi %mul3A_125, %add3A_126 : i32
    %dma_wait3A_128 = arith.constant 0 : i32
    %dma_wait3A_129 = tpu.memref_slice %arg12[%add3A_127, %dma_wait3A_128] : memref<10240x128xf32, #tpu.memory_space<vmem_shared>> -> memref<80x128xf32, #tpu.memory_space<vmem_shared>>
    %dma_wait3A_130 = arith.constant 0 : i32
    %dma_wait3A_131 = tpu.memref_slice %arg12[%add3A_127, %dma_wait3A_130] : memref<10240x128xf32, #tpu.memory_space<vmem_shared>> -> memref<80x128xf32, #tpu.memory_space<vmem_shared>>
    tpu.wait_dma2 semaphore(%arg17 : memref<!tpu.dma_semaphore, #tpu.memory_space<semaphore_mem>>) src(%arg11 : memref<80x128xf32, #tpu.memory_space<vmem>>) dst(%dma_wait3A_131 : memref<80x128xf32, #tpu.memory_space<vmem_shared>>)
    %mul3A_132 = arith.constant 640 : i32
    %mul3A_133 = arith.muli %arg1, %mul3A_132 : i32
    %add3A_134 = arith.constant 240 : i32
    %add3A_135 = arith.addi %mul3A_133, %add3A_134 : i32
    %dma_wait3A_136 = arith.constant 0 : i32
    %dma_wait3A_137 = tpu.memref_slice %arg12[%add3A_135, %dma_wait3A_136] : memref<10240x128xf32, #tpu.memory_space<vmem_shared>> -> memref<80x128xf32, #tpu.memory_space<vmem_shared>>
    %dma_wait3A_138 = arith.constant 0 : i32
    %dma_wait3A_139 = tpu.memref_slice %arg12[%add3A_135, %dma_wait3A_138] : memref<10240x128xf32, #tpu.memory_space<vmem_shared>> -> memref<80x128xf32, #tpu.memory_space<vmem_shared>>
    tpu.wait_dma2 semaphore(%arg17 : memref<!tpu.dma_semaphore, #tpu.memory_space<semaphore_mem>>) src(%arg11 : memref<80x128xf32, #tpu.memory_space<vmem>>) dst(%dma_wait3A_139 : memref<80x128xf32, #tpu.memory_space<vmem_shared>>)
    %mul3A_140 = arith.constant 640 : i32
    %mul3A_141 = arith.muli %arg1, %mul3A_140 : i32
    %add3A_142 = arith.constant 320 : i32
    %add3A_143 = arith.addi %mul3A_141, %add3A_142 : i32
    %dma_wait3A_144 = arith.constant 0 : i32
    %dma_wait3A_145 = tpu.memref_slice %arg12[%add3A_143, %dma_wait3A_144] : memref<10240x128xf32, #tpu.memory_space<vmem_shared>> -> memref<80x128xf32, #tpu.memory_space<vmem_shared>>
    %dma_wait3A_146 = arith.constant 0 : i32
    %dma_wait3A_147 = tpu.memref_slice %arg12[%add3A_143, %dma_wait3A_146] : memref<10240x128xf32, #tpu.memory_space<vmem_shared>> -> memref<80x128xf32, #tpu.memory_space<vmem_shared>>
    tpu.wait_dma2 semaphore(%arg17 : memref<!tpu.dma_semaphore, #tpu.memory_space<semaphore_mem>>) src(%arg11 : memref<80x128xf32, #tpu.memory_space<vmem>>) dst(%dma_wait3A_147 : memref<80x128xf32, #tpu.memory_space<vmem_shared>>)
    %mul3A_148 = arith.constant 640 : i32
    %mul3A_149 = arith.muli %arg1, %mul3A_148 : i32
    %add3A_150 = arith.constant 400 : i32
    %add3A_151 = arith.addi %mul3A_149, %add3A_150 : i32
    %dma_wait3A_152 = arith.constant 0 : i32
    %dma_wait3A_153 = tpu.memref_slice %arg12[%add3A_151, %dma_wait3A_152] : memref<10240x128xf32, #tpu.memory_space<vmem_shared>> -> memref<80x128xf32, #tpu.memory_space<vmem_shared>>
    %dma_wait3A_154 = arith.constant 0 : i32
    %dma_wait3A_155 = tpu.memref_slice %arg12[%add3A_151, %dma_wait3A_154] : memref<10240x128xf32, #tpu.memory_space<vmem_shared>> -> memref<80x128xf32, #tpu.memory_space<vmem_shared>>
    tpu.wait_dma2 semaphore(%arg17 : memref<!tpu.dma_semaphore, #tpu.memory_space<semaphore_mem>>) src(%arg11 : memref<80x128xf32, #tpu.memory_space<vmem>>) dst(%dma_wait3A_155 : memref<80x128xf32, #tpu.memory_space<vmem_shared>>)
    %mul3A_156 = arith.constant 640 : i32
    %mul3A_157 = arith.muli %arg1, %mul3A_156 : i32
    %add3A_158 = arith.constant 480 : i32
    %add3A_159 = arith.addi %mul3A_157, %add3A_158 : i32
    %dma_wait3A_160 = arith.constant 0 : i32
    %dma_wait3A_161 = tpu.memref_slice %arg12[%add3A_159, %dma_wait3A_160] : memref<10240x128xf32, #tpu.memory_space<vmem_shared>> -> memref<80x128xf32, #tpu.memory_space<vmem_shared>>
    %dma_wait3A_162 = arith.constant 0 : i32
    %dma_wait3A_163 = tpu.memref_slice %arg12[%add3A_159, %dma_wait3A_162] : memref<10240x128xf32, #tpu.memory_space<vmem_shared>> -> memref<80x128xf32, #tpu.memory_space<vmem_shared>>
    tpu.wait_dma2 semaphore(%arg17 : memref<!tpu.dma_semaphore, #tpu.memory_space<semaphore_mem>>) src(%arg11 : memref<80x128xf32, #tpu.memory_space<vmem>>) dst(%dma_wait3A_163 : memref<80x128xf32, #tpu.memory_space<vmem_shared>>)
    %mul3A_164 = arith.constant 640 : i32
    %mul3A_165 = arith.muli %arg1, %mul3A_164 : i32
    %add3A_166 = arith.constant 560 : i32
    %add3A_167 = arith.addi %mul3A_165, %add3A_166 : i32
    %dma_wait3A_168 = arith.constant 0 : i32
    %dma_wait3A_169 = tpu.memref_slice %arg12[%add3A_167, %dma_wait3A_168] : memref<10240x128xf32, #tpu.memory_space<vmem_shared>> -> memref<80x128xf32, #tpu.memory_space<vmem_shared>>
    %dma_wait3A_170 = arith.constant 0 : i32
    %dma_wait3A_171 = tpu.memref_slice %arg12[%add3A_167, %dma_wait3A_170] : memref<10240x128xf32, #tpu.memory_space<vmem_shared>> -> memref<80x128xf32, #tpu.memory_space<vmem_shared>>
    tpu.wait_dma2 semaphore(%arg17 : memref<!tpu.dma_semaphore, #tpu.memory_space<semaphore_mem>>) src(%arg11 : memref<80x128xf32, #tpu.memory_space<vmem>>) dst(%dma_wait3A_171 : memref<80x128xf32, #tpu.memory_space<vmem_shared>>)
    %barrier3A = arith.constant 0 : index
    tpu.barrier barrier_id(%barrier3A)
    %scan3A_172 = arith.constant 0 : i32
    %scan3A_173 = arith.constant 0 : i32
    %scan3A_174 = arith.constant 5 : i32
    %scan3A_175 = arith.addi %scan3A_173, %scan3A_174 : i32
    %scan3A_176 = arith.constant 1 : i32
    %scan3A_177 = scf.for %scan3A_296 = %scan3A_173 to %scan3A_175 step %scan3A_176 iter_args(%scan3A_297 = %scan3A_172) -> (i32)  : i32 {
      %mul3A_298 = arith.constant 16 : i32
      %mul3A_299 = arith.muli %scan3A_296, %mul3A_298 : i32
      %get3A = arith.constant 1 : i32
      %get3A_300 = arith.index_cast %get3A : i32 to index
      %get3A_301 = arith.index_cast %mul3A_299 : i32 to index
      %get3A_302 = tpu.vector_load %arg5[%get3A_300, %get3A_301] {strides = array<i32>} : memref<125x80xi32, #tpu.memory_space<vmem>>, vector<1x16xi32>,
      %get3A_303 = vector.shape_cast %get3A_302 : vector<1x16xi32> to vector<16xi32>
      %and3A = arith.constant 65535 : i32
      %and3A_304 = vector.broadcast %and3A : i32 to vector<16xi32>
      %and3A_305 = arith.andi %get3A_303, %and3A_304 : vector<16xi32>
      %mul3A_306 = arith.constant 16 : i32
      %mul3A_307 = arith.muli %scan3A_296, %mul3A_306 : i32
      %swap3A = arith.index_cast %mul3A_307 : i32 to index
      %swap3A_308 = tpu.vector_load %arg8[%swap3A] {strides = array<i32>} : memref<80xi32, #tpu.memory_space<vmem>>, vector<16xi32>,
      %swap3A_309 = vector.shape_cast %swap3A_308 : vector<16xi32> to vector<16xi32>
      %swap3A_310 = vector.shape_cast %and3A_305 : vector<16xi32> to vector<16xi32>
      tpu.vector_store %arg8[%swap3A], %swap3A_310 {strides = array<i32>} : memref<80xi32, #tpu.memory_space<vmem>>, vector<16xi32>,
      %shift_right_logical3A = arith.constant 16 : i32
      %shift_right_logical3A_311 = vector.broadcast %shift_right_logical3A : i32 to vector<16xi32>
      %shift_right_logical3A_312 = arith.shrui %get3A_303, %shift_right_logical3A_311 : vector<16xi32>
      %mul3A_313 = arith.constant 16 : i32
      %mul3A_314 = arith.muli %scan3A_296, %mul3A_313 : i32
      %swap3A_315 = arith.index_cast %mul3A_314 : i32 to index
      %swap3A_316 = tpu.vector_load %arg9[%swap3A_315] {strides = array<i32>} : memref<80xi32, #tpu.memory_space<vmem>>, vector<16xi32>,
      %swap3A_317 = vector.shape_cast %swap3A_316 : vector<16xi32> to vector<16xi32>
      %swap3A_318 = vector.shape_cast %shift_right_logical3A_312 : vector<16xi32> to vector<16xi32>
      tpu.vector_store %arg9[%swap3A_315], %swap3A_318 {strides = array<i32>} : memref<80xi32, #tpu.memory_space<vmem>>, vector<16xi32>,
      %scan3A_319 = arith.constant 0 : i32
      scf.yield %scan3A_319 : i32
    }
    %scan3A_178 = arith.constant 5 : i32
    %dma_start3A_179 = arith.constant 0 : i32
    %dma_start3A_180 = arith.constant 0 : i32
    %dma_start3A_181 = tpu.memref_slice %arg11[%dma_start3A_179, %dma_start3A_180] : memref<80x128xf32, #tpu.memory_space<vmem>> -> memref<40x128xf32, #tpu.memory_space<vmem>>
    %dma_start3A_182 = arith.constant 0 : i32
    %dma_start3A_183 = tpu.memref_slice %arg8[%dma_start3A_182] : memref<80xi32, #tpu.memory_space<vmem>> -> memref<40xi32, #tpu.memory_space<vmem>>
    %dma_start3A_184 = arith.constant 0 : i32
    %dma_start3A_185 = arith.constant 0 : i32
    %dma_start3A_186 = tpu.memref_slice %arg2[%dma_start3A_184, %dma_start3A_185] : memref<10000x128xf32, #tpu.memory_space<hbm>> -> memref<10000x128xf32, #tpu.memory_space<hbm>>
    tpu.enqueue_indirect_dma source(%dma_start3A_186 : memref<10000x128xf32, #tpu.memory_space<hbm>>) target(%dma_start3A_181 : memref<40x128xf32, #tpu.memory_space<vmem>>) offsets(%dma_start3A_183 : memref<40xi32, #tpu.memory_space<vmem>>) semaphore(%arg14 : memref<!tpu.dma_semaphore, #tpu.memory_space<semaphore_mem>>)
    %dma_start3A_187 = arith.constant 40 : i32
    %dma_start3A_188 = arith.constant 0 : i32
    %dma_start3A_189 = tpu.memref_slice %arg11[%dma_start3A_187, %dma_start3A_188] : memref<80x128xf32, #tpu.memory_space<vmem>> -> memref<40x128xf32, #tpu.memory_space<vmem>>
    %dma_start3A_190 = arith.constant 40 : i32
    %dma_start3A_191 = tpu.memref_slice %arg8[%dma_start3A_190] : memref<80xi32, #tpu.memory_space<vmem>> -> memref<40xi32, #tpu.memory_space<vmem>>
    %dma_start3A_192 = arith.constant 0 : i32
    %dma_start3A_193 = arith.constant 0 : i32
    %dma_start3A_194 = tpu.memref_slice %arg2[%dma_start3A_192, %dma_start3A_193] : memref<10000x128xf32, #tpu.memory_space<hbm>> -> memref<10000x128xf32, #tpu.memory_space<hbm>>
    tpu.enqueue_indirect_dma source(%dma_start3A_194 : memref<10000x128xf32, #tpu.memory_space<hbm>>) target(%dma_start3A_189 : memref<40x128xf32, #tpu.memory_space<vmem>>) offsets(%dma_start3A_191 : memref<40xi32, #tpu.memory_space<vmem>>) semaphore(%arg20 : memref<!tpu.dma_semaphore, #tpu.memory_space<semaphore_mem>>)
    %dma_wait3A_195 = arith.constant 0 : i32
    %dma_wait3A_196 = arith.constant 0 : i32
    %dma_wait3A_197 = tpu.memref_slice %arg10[%dma_wait3A_195, %dma_wait3A_196] : memref<80x128xf32, #tpu.memory_space<vmem>> -> memref<40x128xf32, #tpu.memory_space<vmem>>
    %dma_wait3A_198 = arith.constant 0 : i32
    %dma_wait3A_199 = tpu.memref_slice %arg6[%dma_wait3A_198] : memref<80xi32, #tpu.memory_space<vmem>> -> memref<40xi32, #tpu.memory_space<vmem>>
    %dma_wait3A_200 = arith.constant 0 : i32
    %dma_wait3A_201 = arith.constant 0 : i32
    %dma_wait3A_202 = tpu.memref_slice %arg2[%dma_wait3A_200, %dma_wait3A_201] : memref<10000x128xf32, #tpu.memory_space<hbm>> -> memref<10000x128xf32, #tpu.memory_space<hbm>>
    tpu.wait_indirect_dma semaphore(%arg13 : memref<!tpu.dma_semaphore, #tpu.memory_space<semaphore_mem>>) src(%dma_wait3A_202 : memref<10000x128xf32, #tpu.memory_space<hbm>>) dst(%dma_wait3A_197 : memref<40x128xf32, #tpu.memory_space<vmem>>)
    %dma_wait3A_203 = arith.constant 40 : i32
    %dma_wait3A_204 = arith.constant 0 : i32
    %dma_wait3A_205 = tpu.memref_slice %arg10[%dma_wait3A_203, %dma_wait3A_204] : memref<80x128xf32, #tpu.memory_space<vmem>> -> memref<40x128xf32, #tpu.memory_space<vmem>>
    %dma_wait3A_206 = arith.constant 40 : i32
    %dma_wait3A_207 = tpu.memref_slice %arg6[%dma_wait3A_206] : memref<80xi32, #tpu.memory_space<vmem>> -> memref<40xi32, #tpu.memory_space<vmem>>
    %dma_wait3A_208 = arith.constant 0 : i32
    %dma_wait3A_209 = arith.constant 0 : i32
    %dma_wait3A_210 = tpu.memref_slice %arg2[%dma_wait3A_208, %dma_wait3A_209] : memref<10000x128xf32, #tpu.memory_space<hbm>> -> memref<10000x128xf32, #tpu.memory_space<hbm>>
    tpu.wait_indirect_dma semaphore(%arg19 : memref<!tpu.dma_semaphore, #tpu.memory_space<semaphore_mem>>) src(%dma_wait3A_210 : memref<10000x128xf32, #tpu.memory_space<hbm>>) dst(%dma_wait3A_205 : memref<40x128xf32, #tpu.memory_space<vmem>>)
    %dma_start3A_211 = arith.constant 0 : i32
    %dma_start3A_212 = arith.constant 0 : i32
    %dma_start3A_213 = tpu.memref_slice %arg12[%dma_start3A_211, %dma_start3A_212] : memref<10240x128xf32, #tpu.memory_space<vmem_shared>> -> memref<10240x128xf32, #tpu.memory_space<vmem_shared>>
    tpu.enqueue_indirect_dma source(%arg10 : memref<80x128xf32, #tpu.memory_space<vmem>>) target(%dma_start3A_213 : memref<10240x128xf32, #tpu.memory_space<vmem_shared>>) offsets(%arg7 : memref<80xi32, #tpu.memory_space<vmem>>) semaphore(%arg15 : memref<!tpu.dma_semaphore, #tpu.memory_space<semaphore_mem>>) {add = true}
    %dma_wait3A_214 = arith.constant 0 : i32
    %dma_wait3A_215 = arith.constant 0 : i32
    %dma_wait3A_216 = tpu.memref_slice %arg11[%dma_wait3A_214, %dma_wait3A_215] : memref<80x128xf32, #tpu.memory_space<vmem>> -> memref<40x128xf32, #tpu.memory_space<vmem>>
    %dma_wait3A_217 = arith.constant 0 : i32
    %dma_wait3A_218 = tpu.memref_slice %arg8[%dma_wait3A_217] : memref<80xi32, #tpu.memory_space<vmem>> -> memref<40xi32, #tpu.memory_space<vmem>>
    %dma_wait3A_219 = arith.constant 0 : i32
    %dma_wait3A_220 = arith.constant 0 : i32
    %dma_wait3A_221 = tpu.memref_slice %arg2[%dma_wait3A_219, %dma_wait3A_220] : memref<10000x128xf32, #tpu.memory_space<hbm>> -> memref<10000x128xf32, #tpu.memory_space<hbm>>
    tpu.wait_indirect_dma semaphore(%arg14 : memref<!tpu.dma_semaphore, #tpu.memory_space<semaphore_mem>>) src(%dma_wait3A_221 : memref<10000x128xf32, #tpu.memory_space<hbm>>) dst(%dma_wait3A_216 : memref<40x128xf32, #tpu.memory_space<vmem>>)
    %dma_wait3A_222 = arith.constant 40 : i32
    %dma_wait3A_223 = arith.constant 0 : i32
    %dma_wait3A_224 = tpu.memref_slice %arg11[%dma_wait3A_222, %dma_wait3A_223] : memref<80x128xf32, #tpu.memory_space<vmem>> -> memref<40x128xf32, #tpu.memory_space<vmem>>
    %dma_wait3A_225 = arith.constant 40 : i32
    %dma_wait3A_226 = tpu.memref_slice %arg8[%dma_wait3A_225] : memref<80xi32, #tpu.memory_space<vmem>> -> memref<40xi32, #tpu.memory_space<vmem>>
    %dma_wait3A_227 = arith.constant 0 : i32
    %dma_wait3A_228 = arith.constant 0 : i32
    %dma_wait3A_229 = tpu.memref_slice %arg2[%dma_wait3A_227, %dma_wait3A_228] : memref<10000x128xf32, #tpu.memory_space<hbm>> -> memref<10000x128xf32, #tpu.memory_space<hbm>>
    tpu.wait_indirect_dma semaphore(%arg20 : memref<!tpu.dma_semaphore, #tpu.memory_space<semaphore_mem>>) src(%dma_wait3A_229 : memref<10000x128xf32, #tpu.memory_space<hbm>>) dst(%dma_wait3A_224 : memref<40x128xf32, #tpu.memory_space<vmem>>)
    %dma_start3A_230 = arith.constant 0 : i32
    %dma_start3A_231 = arith.constant 0 : i32
    %dma_start3A_232 = tpu.memref_slice %arg12[%dma_start3A_230, %dma_start3A_231] : memref<10240x128xf32, #tpu.memory_space<vmem_shared>> -> memref<10240x128xf32, #tpu.memory_space<vmem_shared>>
    tpu.enqueue_indirect_dma source(%arg11 : memref<80x128xf32, #tpu.memory_space<vmem>>) target(%dma_start3A_232 : memref<10240x128xf32, #tpu.memory_space<vmem_shared>>) offsets(%arg9 : memref<80xi32, #tpu.memory_space<vmem>>) semaphore(%arg16 : memref<!tpu.dma_semaphore, #tpu.memory_space<semaphore_mem>>) {add = true}
    %dma_wait3A_233 = arith.constant 0 : i32
    %dma_wait3A_234 = arith.constant 0 : i32
    %dma_wait3A_235 = tpu.memref_slice %arg12[%dma_wait3A_233, %dma_wait3A_234] : memref<10240x128xf32, #tpu.memory_space<vmem_shared>> -> memref<10240x128xf32, #tpu.memory_space<vmem_shared>>
    tpu.wait_indirect_dma semaphore(%arg15 : memref<!tpu.dma_semaphore, #tpu.memory_space<semaphore_mem>>) src(%arg10 : memref<80x128xf32, #tpu.memory_space<vmem>>) dst(%dma_wait3A_235 : memref<10240x128xf32, #tpu.memory_space<vmem_shared>>)
    %scan3A_236 = arith.constant 0 : i32
    %scan3A_237 = arith.constant 0 : i32
    %scan3A_238 = arith.constant 5 : i32
    %scan3A_239 = arith.addi %scan3A_237, %scan3A_238 : i32
    %scan3A_240 = arith.constant 1 : i32
    %scan3A_241 = scf.for %scan3A_296 = %scan3A_237 to %scan3A_239 step %scan3A_240 iter_args(%scan3A_297 = %scan3A_236) -> (i32)  : i32 {
      %mul3A_298 = arith.constant 16 : i32
      %mul3A_299 = arith.muli %scan3A_296, %mul3A_298 : i32
      %get3A = arith.constant 2 : i32
      %get3A_300 = arith.index_cast %get3A : i32 to index
      %get3A_301 = arith.index_cast %mul3A_299 : i32 to index
      %get3A_302 = tpu.vector_load %arg5[%get3A_300, %get3A_301] {strides = array<i32>} : memref<125x80xi32, #tpu.memory_space<vmem>>, vector<1x16xi32>,
      %get3A_303 = vector.shape_cast %get3A_302 : vector<1x16xi32> to vector<16xi32>
      %and3A = arith.constant 65535 : i32
      %and3A_304 = vector.broadcast %and3A : i32 to vector<16xi32>
      %and3A_305 = arith.andi %get3A_303, %and3A_304 : vector<16xi32>
      %mul3A_306 = arith.constant 16 : i32
      %mul3A_307 = arith.muli %scan3A_296, %mul3A_306 : i32
      %swap3A = arith.index_cast %mul3A_307 : i32 to index
      %swap3A_308 = tpu.vector_load %arg6[%swap3A] {strides = array<i32>} : memref<80xi32, #tpu.memory_space<vmem>>, vector<16xi32>,
      %swap3A_309 = vector.shape_cast %swap3A_308 : vector<16xi32> to vector<16xi32>
      %swap3A_310 = vector.shape_cast %and3A_305 : vector<16xi32> to vector<16xi32>
      tpu.vector_store %arg6[%swap3A], %swap3A_310 {strides = array<i32>} : memref<80xi32, #tpu.memory_space<vmem>>, vector<16xi32>,
      %shift_right_logical3A = arith.constant 16 : i32
      %shift_right_logical3A_311 = vector.broadcast %shift_right_logical3A : i32 to vector<16xi32>
      %shift_right_logical3A_312 = arith.shrui %get3A_303, %shift_right_logical3A_311 : vector<16xi32>
      %mul3A_313 = arith.constant 16 : i32
      %mul3A_314 = arith.muli %scan3A_296, %mul3A_313 : i32
      %swap3A_315 = arith.index_cast %mul3A_314 : i32 to index
      %swap3A_316 = tpu.vector_load %arg7[%swap3A_315] {strides = array<i32>} : memref<80xi32, #tpu.memory_space<vmem>>, vector<16xi32>,
      %swap3A_317 = vector.shape_cast %swap3A_316 : vector<16xi32> to vector<16xi32>
      %swap3A_318 = vector.shape_cast %shift_right_logical3A_312 : vector<16xi32> to vector<16xi32>
      tpu.vector_store %arg7[%swap3A_315], %swap3A_318 {strides = array<i32>} : memref<80xi32, #tpu.memory_space<vmem>>, vector<16xi32>,
      %scan3A_319 = arith.constant 0 : i32
      scf.yield %scan3A_319 : i32
    }
    %scan3A_242 = arith.constant 5 : i32
    %dma_start3A_243 = arith.constant 0 : i32
    %dma_start3A_244 = arith.constant 0 : i32
    %dma_start3A_245 = tpu.memref_slice %arg10[%dma_start3A_243, %dma_start3A_244] : memref<80x128xf32, #tpu.memory_space<vmem>> -> memref<40x128xf32, #tpu.memory_space<vmem>>
    %dma_start3A_246 = arith.constant 0 : i32
    %dma_start3A_247 = tpu.memref_slice %arg6[%dma_start3A_246] : memref<80xi32, #tpu.memory_space<vmem>> -> memref<40xi32, #tpu.memory_space<vmem>>
    %dma_start3A_248 = arith.constant 0 : i32
    %dma_start3A_249 = arith.constant 0 : i32
    %dma_start3A_250 = tpu.memref_slice %arg2[%dma_start3A_248, %dma_start3A_249] : memref<10000x128xf32, #tpu.memory_space<hbm>> -> memref<10000x128xf32, #tpu.memory_space<hbm>>
    tpu.enqueue_indirect_dma source(%dma_start3A_250 : memref<10000x128xf32, #tpu.memory_space<hbm>>) target(%dma_start3A_245 : memref<40x128xf32, #tpu.memory_space<vmem>>) offsets(%dma_start3A_247 : memref<40xi32, #tpu.memory_space<vmem>>) semaphore(%arg13 : memref<!tpu.dma_semaphore, #tpu.memory_space<semaphore_mem>>)
    %dma_start3A_251 = arith.constant 40 : i32
    %dma_start3A_252 = arith.constant 0 : i32
    %dma_start3A_253 = tpu.memref_slice %arg10[%dma_start3A_251, %dma_start3A_252] : memref<80x128xf32, #tpu.memory_space<vmem>> -> memref<40x128xf32, #tpu.memory_space<vmem>>
    %dma_start3A_254 = arith.constant 40 : i32
    %dma_start3A_255 = tpu.memref_slice %arg6[%dma_start3A_254] : memref<80xi32, #tpu.memory_space<vmem>> -> memref<40xi32, #tpu.memory_space<vmem>>
    %dma_start3A_256 = arith.constant 0 : i32
    %dma_start3A_257 = arith.constant 0 : i32
    %dma_start3A_258 = tpu.memref_slice %arg2[%dma_start3A_256, %dma_start3A_257] : memref<10000x128xf32, #tpu.memory_space<hbm>> -> memref<10000x128xf32, #tpu.memory_space<hbm>>
    tpu.enqueue_indirect_dma source(%dma_start3A_258 : memref<10000x128xf32, #tpu.memory_space<hbm>>) target(%dma_start3A_253 : memref<40x128xf32, #tpu.memory_space<vmem>>) offsets(%dma_start3A_255 : memref<40xi32, #tpu.memory_space<vmem>>) semaphore(%arg19 : memref<!tpu.dma_semaphore, #tpu.memory_space<semaphore_mem>>)
    %scan3A_259 = arith.constant 0 : i32
    %scan3A_260 = arith.constant 1 : i32
    %scan3A_261 = arith.constant 61 : i32
    %scan3A_262 = arith.addi %scan3A_260, %scan3A_261 : i32
    %scan3A_263 = arith.constant 1 : i32
    %scan3A_264 = scf.for %scan3A_296 = %scan3A_260 to %scan3A_262 step %scan3A_263 iter_args(%scan3A_297 = %scan3A_259) -> (i32)  : i32 {
      %mul3A_298 = arith.constant 2 : i32
      %mul3A_299 = arith.muli %mul3A_298, %scan3A_296 : i32
      %dma_wait3A_300 = arith.constant 0 : i32
      %dma_wait3A_301 = arith.constant 0 : i32
      %dma_wait3A_302 = tpu.memref_slice %arg10[%dma_wait3A_300, %dma_wait3A_301] : memref<80x128xf32, #tpu.memory_space<vmem>> -> memref<40x128xf32, #tpu.memory_space<vmem>>
      %dma_wait3A_303 = arith.constant 0 : i32
      %dma_wait3A_304 = tpu.memref_slice %arg6[%dma_wait3A_303] : memref<80xi32, #tpu.memory_space<vmem>> -> memref<40xi32, #tpu.memory_space<vmem>>
      %dma_wait3A_305 = arith.constant 0 : i32
      %dma_wait3A_306 = arith.constant 0 : i32
      %dma_wait3A_307 = tpu.memref_slice %arg2[%dma_wait3A_305, %dma_wait3A_306] : memref<10000x128xf32, #tpu.memory_space<hbm>> -> memref<10000x128xf32, #tpu.memory_space<hbm>>
      tpu.wait_indirect_dma semaphore(%arg13 : memref<!tpu.dma_semaphore, #tpu.memory_space<semaphore_mem>>) src(%dma_wait3A_307 : memref<10000x128xf32, #tpu.memory_space<hbm>>) dst(%dma_wait3A_302 : memref<40x128xf32, #tpu.memory_space<vmem>>)
      %dma_wait3A_308 = arith.constant 40 : i32
      %dma_wait3A_309 = arith.constant 0 : i32
      %dma_wait3A_310 = tpu.memref_slice %arg10[%dma_wait3A_308, %dma_wait3A_309] : memref<80x128xf32, #tpu.memory_space<vmem>> -> memref<40x128xf32, #tpu.memory_space<vmem>>
      %dma_wait3A_311 = arith.constant 40 : i32
      %dma_wait3A_312 = tpu.memref_slice %arg6[%dma_wait3A_311] : memref<80xi32, #tpu.memory_space<vmem>> -> memref<40xi32, #tpu.memory_space<vmem>>
      %dma_wait3A_313 = arith.constant 0 : i32
      %dma_wait3A_314 = arith.constant 0 : i32
      %dma_wait3A_315 = tpu.memref_slice %arg2[%dma_wait3A_313, %dma_wait3A_314] : memref<10000x128xf32, #tpu.memory_space<hbm>> -> memref<10000x128xf32, #tpu.memory_space<hbm>>
      tpu.wait_indirect_dma semaphore(%arg19 : memref<!tpu.dma_semaphore, #tpu.memory_space<semaphore_mem>>) src(%dma_wait3A_315 : memref<10000x128xf32, #tpu.memory_space<hbm>>) dst(%dma_wait3A_310 : memref<40x128xf32, #tpu.memory_space<vmem>>)
      %dma_start3A_316 = arith.constant 0 : i32
      %dma_start3A_317 = arith.constant 0 : i32
      %dma_start3A_318 = tpu.memref_slice %arg12[%dma_start3A_316, %dma_start3A_317] : memref<10240x128xf32, #tpu.memory_space<vmem_shared>> -> memref<10240x128xf32, #tpu.memory_space<vmem_shared>>
      tpu.enqueue_indirect_dma source(%arg10 : memref<80x128xf32, #tpu.memory_space<vmem>>) target(%dma_start3A_318 : memref<10240x128xf32, #tpu.memory_space<vmem_shared>>) offsets(%arg7 : memref<80xi32, #tpu.memory_space<vmem>>) semaphore(%arg15 : memref<!tpu.dma_semaphore, #tpu.memory_space<semaphore_mem>>) {add = true}
      %dma_wait3A_319 = arith.constant 0 : i32
      %dma_wait3A_320 = arith.constant 0 : i32
      %dma_wait3A_321 = tpu.memref_slice %arg12[%dma_wait3A_319, %dma_wait3A_320] : memref<10240x128xf32, #tpu.memory_space<vmem_shared>> -> memref<10240x128xf32, #tpu.memory_space<vmem_shared>>
      tpu.wait_indirect_dma semaphore(%arg16 : memref<!tpu.dma_semaphore, #tpu.memory_space<semaphore_mem>>) src(%arg11 : memref<80x128xf32, #tpu.memory_space<vmem>>) dst(%dma_wait3A_321 : memref<10240x128xf32, #tpu.memory_space<vmem_shared>>)
      %add3A_322 = arith.constant 1 : i32
      %add3A_323 = arith.addi %mul3A_299, %add3A_322 : i32
      %scan3A_324 = arith.constant 0 : i32
      %scan3A_325 = arith.constant 0 : i32
      %scan3A_326 = arith.constant 5 : i32
      %scan3A_327 = arith.addi %scan3A_325, %scan3A_326 : i32
      %scan3A_328 = arith.constant 1 : i32
      %scan3A_329 = scf.for %scan3A_395 = %scan3A_325 to %scan3A_327 step %scan3A_328 iter_args(%scan3A_396 = %scan3A_324) -> (i32)  : i32 {
        %mul3A_397 = arith.constant 16 : i32
        %mul3A_398 = arith.muli %scan3A_395, %mul3A_397 : i32
        %get3A = arith.index_cast %add3A_323 : i32 to index
        %get3A_399 = arith.index_cast %mul3A_398 : i32 to index
        %get3A_400 = tpu.vector_load %arg5[%get3A, %get3A_399] {strides = array<i32>} : memref<125x80xi32, #tpu.memory_space<vmem>>, vector<1x16xi32>,
        %get3A_401 = vector.shape_cast %get3A_400 : vector<1x16xi32> to vector<16xi32>
        %and3A = arith.constant 65535 : i32
        %and3A_402 = vector.broadcast %and3A : i32 to vector<16xi32>
        %and3A_403 = arith.andi %get3A_401, %and3A_402 : vector<16xi32>
        %mul3A_404 = arith.constant 16 : i32
        %mul3A_405 = arith.muli %scan3A_395, %mul3A_404 : i32
        %swap3A = arith.index_cast %mul3A_405 : i32 to index
        %swap3A_406 = tpu.vector_load %arg8[%swap3A] {strides = array<i32>} : memref<80xi32, #tpu.memory_space<vmem>>, vector<16xi32>,
        %swap3A_407 = vector.shape_cast %swap3A_406 : vector<16xi32> to vector<16xi32>
        %swap3A_408 = vector.shape_cast %and3A_403 : vector<16xi32> to vector<16xi32>
        tpu.vector_store %arg8[%swap3A], %swap3A_408 {strides = array<i32>} : memref<80xi32, #tpu.memory_space<vmem>>, vector<16xi32>,
        %shift_right_logical3A = arith.constant 16 : i32
        %shift_right_logical3A_409 = vector.broadcast %shift_right_logical3A : i32 to vector<16xi32>
        %shift_right_logical3A_410 = arith.shrui %get3A_401, %shift_right_logical3A_409 : vector<16xi32>
        %mul3A_411 = arith.constant 16 : i32
        %mul3A_412 = arith.muli %scan3A_395, %mul3A_411 : i32
        %swap3A_413 = arith.index_cast %mul3A_412 : i32 to index
        %swap3A_414 = tpu.vector_load %arg9[%swap3A_413] {strides = array<i32>} : memref<80xi32, #tpu.memory_space<vmem>>, vector<16xi32>,
        %swap3A_415 = vector.shape_cast %swap3A_414 : vector<16xi32> to vector<16xi32>
        %swap3A_416 = vector.shape_cast %shift_right_logical3A_410 : vector<16xi32> to vector<16xi32>
        tpu.vector_store %arg9[%swap3A_413], %swap3A_416 {strides = array<i32>} : memref<80xi32, #tpu.memory_space<vmem>>, vector<16xi32>,
        %scan3A_417 = arith.constant 0 : i32
        scf.yield %scan3A_417 : i32
      }
      %scan3A_330 = arith.constant 5 : i32
      %dma_start3A_331 = arith.constant 0 : i32
      %dma_start3A_332 = arith.constant 0 : i32
      %dma_start3A_333 = tpu.memref_slice %arg11[%dma_start3A_331, %dma_start3A_332] : memref<80x128xf32, #tpu.memory_space<vmem>> -> memref<40x128xf32, #tpu.memory_space<vmem>>
      %dma_start3A_334 = arith.constant 0 : i32
      %dma_start3A_335 = tpu.memref_slice %arg8[%dma_start3A_334] : memref<80xi32, #tpu.memory_space<vmem>> -> memref<40xi32, #tpu.memory_space<vmem>>
      %dma_start3A_336 = arith.constant 0 : i32
      %dma_start3A_337 = arith.constant 0 : i32
      %dma_start3A_338 = tpu.memref_slice %arg2[%dma_start3A_336, %dma_start3A_337] : memref<10000x128xf32, #tpu.memory_space<hbm>> -> memref<10000x128xf32, #tpu.memory_space<hbm>>
      tpu.enqueue_indirect_dma source(%dma_start3A_338 : memref<10000x128xf32, #tpu.memory_space<hbm>>) target(%dma_start3A_333 : memref<40x128xf32, #tpu.memory_space<vmem>>) offsets(%dma_start3A_335 : memref<40xi32, #tpu.memory_space<vmem>>) semaphore(%arg14 : memref<!tpu.dma_semaphore, #tpu.memory_space<semaphore_mem>>)
      %dma_start3A_339 = arith.constant 40 : i32
      %dma_start3A_340 = arith.constant 0 : i32
      %dma_start3A_341 = tpu.memref_slice %arg11[%dma_start3A_339, %dma_start3A_340] : memref<80x128xf32, #tpu.memory_space<vmem>> -> memref<40x128xf32, #tpu.memory_space<vmem>>
      %dma_start3A_342 = arith.constant 40 : i32
      %dma_start3A_343 = tpu.memref_slice %arg8[%dma_start3A_342] : memref<80xi32, #tpu.memory_space<vmem>> -> memref<40xi32, #tpu.memory_space<vmem>>
      %dma_start3A_344 = arith.constant 0 : i32
      %dma_start3A_345 = arith.constant 0 : i32
      %dma_start3A_346 = tpu.memref_slice %arg2[%dma_start3A_344, %dma_start3A_345] : memref<10000x128xf32, #tpu.memory_space<hbm>> -> memref<10000x128xf32, #tpu.memory_space<hbm>>
      tpu.enqueue_indirect_dma source(%dma_start3A_346 : memref<10000x128xf32, #tpu.memory_space<hbm>>) target(%dma_start3A_341 : memref<40x128xf32, #tpu.memory_space<vmem>>) offsets(%dma_start3A_343 : memref<40xi32, #tpu.memory_space<vmem>>) semaphore(%arg20 : memref<!tpu.dma_semaphore, #tpu.memory_space<semaphore_mem>>)
      %dma_wait3A_347 = arith.constant 0 : i32
      %dma_wait3A_348 = arith.constant 0 : i32
      %dma_wait3A_349 = tpu.memref_slice %arg11[%dma_wait3A_347, %dma_wait3A_348] : memref<80x128xf32, #tpu.memory_space<vmem>> -> memref<40x128xf32, #tpu.memory_space<vmem>>
      %dma_wait3A_350 = arith.constant 0 : i32
      %dma_wait3A_351 = tpu.memref_slice %arg8[%dma_wait3A_350] : memref<80xi32, #tpu.memory_space<vmem>> -> memref<40xi32, #tpu.memory_space<vmem>>
      %dma_wait3A_352 = arith.constant 0 : i32
      %dma_wait3A_353 = arith.constant 0 : i32
      %dma_wait3A_354 = tpu.memref_slice %arg2[%dma_wait3A_352, %dma_wait3A_353] : memref<10000x128xf32, #tpu.memory_space<hbm>> -> memref<10000x128xf32, #tpu.memory_space<hbm>>
      tpu.wait_indirect_dma semaphore(%arg14 : memref<!tpu.dma_semaphore, #tpu.memory_space<semaphore_mem>>) src(%dma_wait3A_354 : memref<10000x128xf32, #tpu.memory_space<hbm>>) dst(%dma_wait3A_349 : memref<40x128xf32, #tpu.memory_space<vmem>>)
      %dma_wait3A_355 = arith.constant 40 : i32
      %dma_wait3A_356 = arith.constant 0 : i32
      %dma_wait3A_357 = tpu.memref_slice %arg11[%dma_wait3A_355, %dma_wait3A_356] : memref<80x128xf32, #tpu.memory_space<vmem>> -> memref<40x128xf32, #tpu.memory_space<vmem>>
      %dma_wait3A_358 = arith.constant 40 : i32
      %dma_wait3A_359 = tpu.memref_slice %arg8[%dma_wait3A_358] : memref<80xi32, #tpu.memory_space<vmem>> -> memref<40xi32, #tpu.memory_space<vmem>>
      %dma_wait3A_360 = arith.constant 0 : i32
      %dma_wait3A_361 = arith.constant 0 : i32
      %dma_wait3A_362 = tpu.memref_slice %arg2[%dma_wait3A_360, %dma_wait3A_361] : memref<10000x128xf32, #tpu.memory_space<hbm>> -> memref<10000x128xf32, #tpu.memory_space<hbm>>
      tpu.wait_indirect_dma semaphore(%arg20 : memref<!tpu.dma_semaphore, #tpu.memory_space<semaphore_mem>>) src(%dma_wait3A_362 : memref<10000x128xf32, #tpu.memory_space<hbm>>) dst(%dma_wait3A_357 : memref<40x128xf32, #tpu.memory_space<vmem>>)
      %dma_start3A_363 = arith.constant 0 : i32
      %dma_start3A_364 = arith.constant 0 : i32
      %dma_start3A_365 = tpu.memref_slice %arg12[%dma_start3A_363, %dma_start3A_364] : memref<10240x128xf32, #tpu.memory_space<vmem_shared>> -> memref<10240x128xf32, #tpu.memory_space<vmem_shared>>
      tpu.enqueue_indirect_dma source(%arg11 : memref<80x128xf32, #tpu.memory_space<vmem>>) target(%dma_start3A_365 : memref<10240x128xf32, #tpu.memory_space<vmem_shared>>) offsets(%arg9 : memref<80xi32, #tpu.memory_space<vmem>>) semaphore(%arg16 : memref<!tpu.dma_semaphore, #tpu.memory_space<semaphore_mem>>) {add = true}
      %dma_wait3A_366 = arith.constant 0 : i32
      %dma_wait3A_367 = arith.constant 0 : i32
      %dma_wait3A_368 = tpu.memref_slice %arg12[%dma_wait3A_366, %dma_wait3A_367] : memref<10240x128xf32, #tpu.memory_space<vmem_shared>> -> memref<10240x128xf32, #tpu.memory_space<vmem_shared>>
      tpu.wait_indirect_dma semaphore(%arg15 : memref<!tpu.dma_semaphore, #tpu.memory_space<semaphore_mem>>) src(%arg10 : memref<80x128xf32, #tpu.memory_space<vmem>>) dst(%dma_wait3A_368 : memref<10240x128xf32, #tpu.memory_space<vmem_shared>>)
      %add3A_369 = arith.constant 2 : i32
      %add3A_370 = arith.addi %mul3A_299, %add3A_369 : i32
      %scan3A_371 = arith.constant 0 : i32
      %scan3A_372 = arith.constant 0 : i32
      %scan3A_373 = arith.constant 5 : i32
      %scan3A_374 = arith.addi %scan3A_372, %scan3A_373 : i32
      %scan3A_375 = arith.constant 1 : i32
      %scan3A_376 = scf.for %scan3A_395 = %scan3A_372 to %scan3A_374 step %scan3A_375 iter_args(%scan3A_396 = %scan3A_371) -> (i32)  : i32 {
        %mul3A_397 = arith.constant 16 : i32
        %mul3A_398 = arith.muli %scan3A_395, %mul3A_397 : i32
        %get3A = arith.index_cast %add3A_370 : i32 to index
        %get3A_399 = arith.index_cast %mul3A_398 : i32 to index
        %get3A_400 = tpu.vector_load %arg5[%get3A, %get3A_399] {strides = array<i32>} : memref<125x80xi32, #tpu.memory_space<vmem>>, vector<1x16xi32>,
        %get3A_401 = vector.shape_cast %get3A_400 : vector<1x16xi32> to vector<16xi32>
        %and3A = arith.constant 65535 : i32
        %and3A_402 = vector.broadcast %and3A : i32 to vector<16xi32>
        %and3A_403 = arith.andi %get3A_401, %and3A_402 : vector<16xi32>
        %mul3A_404 = arith.constant 16 : i32
        %mul3A_405 = arith.muli %scan3A_395, %mul3A_404 : i32
        %swap3A = arith.index_cast %mul3A_405 : i32 to index
        %swap3A_406 = tpu.vector_load %arg6[%swap3A] {strides = array<i32>} : memref<80xi32, #tpu.memory_space<vmem>>, vector<16xi32>,
        %swap3A_407 = vector.shape_cast %swap3A_406 : vector<16xi32> to vector<16xi32>
        %swap3A_408 = vector.shape_cast %and3A_403 : vector<16xi32> to vector<16xi32>
        tpu.vector_store %arg6[%swap3A], %swap3A_408 {strides = array<i32>} : memref<80xi32, #tpu.memory_space<vmem>>, vector<16xi32>,
        %shift_right_logical3A = arith.constant 16 : i32
        %shift_right_logical3A_409 = vector.broadcast %shift_right_logical3A : i32 to vector<16xi32>
        %shift_right_logical3A_410 = arith.shrui %get3A_401, %shift_right_logical3A_409 : vector<16xi32>
        %mul3A_411 = arith.constant 16 : i32
        %mul3A_412 = arith.muli %scan3A_395, %mul3A_411 : i32
        %swap3A_413 = arith.index_cast %mul3A_412 : i32 to index
        %swap3A_414 = tpu.vector_load %arg7[%swap3A_413] {strides = array<i32>} : memref<80xi32, #tpu.memory_space<vmem>>, vector<16xi32>,
        %swap3A_415 = vector.shape_cast %swap3A_414 : vector<16xi32> to vector<16xi32>
        %swap3A_416 = vector.shape_cast %shift_right_logical3A_410 : vector<16xi32> to vector<16xi32>
        tpu.vector_store %arg7[%swap3A_413], %swap3A_416 {strides = array<i32>} : memref<80xi32, #tpu.memory_space<vmem>>, vector<16xi32>,
        %scan3A_417 = arith.constant 0 : i32
        scf.yield %scan3A_417 : i32
      }
      %scan3A_377 = arith.constant 5 : i32
      %dma_start3A_378 = arith.constant 0 : i32
      %dma_start3A_379 = arith.constant 0 : i32
      %dma_start3A_380 = tpu.memref_slice %arg10[%dma_start3A_378, %dma_start3A_379] : memref<80x128xf32, #tpu.memory_space<vmem>> -> memref<40x128xf32, #tpu.memory_space<vmem>>
      %dma_start3A_381 = arith.constant 0 : i32
      %dma_start3A_382 = tpu.memref_slice %arg6[%dma_start3A_381] : memref<80xi32, #tpu.memory_space<vmem>> -> memref<40xi32, #tpu.memory_space<vmem>>
      %dma_start3A_383 = arith.constant 0 : i32
      %dma_start3A_384 = arith.constant 0 : i32
      %dma_start3A_385 = tpu.memref_slice %arg2[%dma_start3A_383, %dma_start3A_384] : memref<10000x128xf32, #tpu.memory_space<hbm>> -> memref<10000x128xf32, #tpu.memory_space<hbm>>
      tpu.enqueue_indirect_dma source(%dma_start3A_385 : memref<10000x128xf32, #tpu.memory_space<hbm>>) target(%dma_start3A_380 : memref<40x128xf32, #tpu.memory_space<vmem>>) offsets(%dma_start3A_382 : memref<40xi32, #tpu.memory_space<vmem>>) semaphore(%arg13 : memref<!tpu.dma_semaphore, #tpu.memory_space<semaphore_mem>>)
      %dma_start3A_386 = arith.constant 40 : i32
      %dma_start3A_387 = arith.constant 0 : i32
      %dma_start3A_388 = tpu.memref_slice %arg10[%dma_start3A_386, %dma_start3A_387] : memref<80x128xf32, #tpu.memory_space<vmem>> -> memref<40x128xf32, #tpu.memory_space<vmem>>
      %dma_start3A_389 = arith.constant 40 : i32
      %dma_start3A_390 = tpu.memref_slice %arg6[%dma_start3A_389] : memref<80xi32, #tpu.memory_space<vmem>> -> memref<40xi32, #tpu.memory_space<vmem>>
      %dma_start3A_391 = arith.constant 0 : i32
      %dma_start3A_392 = arith.constant 0 : i32
      %dma_start3A_393 = tpu.memref_slice %arg2[%dma_start3A_391, %dma_start3A_392] : memref<10000x128xf32, #tpu.memory_space<hbm>> -> memref<10000x128xf32, #tpu.memory_space<hbm>>
      tpu.enqueue_indirect_dma source(%dma_start3A_393 : memref<10000x128xf32, #tpu.memory_space<hbm>>) target(%dma_start3A_388 : memref<40x128xf32, #tpu.memory_space<vmem>>) offsets(%dma_start3A_390 : memref<40xi32, #tpu.memory_space<vmem>>) semaphore(%arg19 : memref<!tpu.dma_semaphore, #tpu.memory_space<semaphore_mem>>)
      %scan3A_394 = arith.constant 0 : i32
      scf.yield %scan3A_394 : i32
    }
    %scan3A_265 = arith.constant 61 : i32
    %dma_wait3A_266 = arith.constant 0 : i32
    %dma_wait3A_267 = arith.constant 0 : i32
    %dma_wait3A_268 = tpu.memref_slice %arg10[%dma_wait3A_266, %dma_wait3A_267] : memref<80x128xf32, #tpu.memory_space<vmem>> -> memref<40x128xf32, #tpu.memory_space<vmem>>
    %dma_wait3A_269 = arith.constant 0 : i32
    %dma_wait3A_270 = tpu.memref_slice %arg6[%dma_wait3A_269] : memref<80xi32, #tpu.memory_space<vmem>> -> memref<40xi32, #tpu.memory_space<vmem>>
    %dma_wait3A_271 = arith.constant 0 : i32
    %dma_wait3A_272 = arith.constant 0 : i32
    %dma_wait3A_273 = tpu.memref_slice %arg2[%dma_wait3A_271, %dma_wait3A_272] : memref<10000x128xf32, #tpu.memory_space<hbm>> -> memref<10000x128xf32, #tpu.memory_space<hbm>>
    tpu.wait_indirect_dma semaphore(%arg13 : memref<!tpu.dma_semaphore, #tpu.memory_space<semaphore_mem>>) src(%dma_wait3A_273 : memref<10000x128xf32, #tpu.memory_space<hbm>>) dst(%dma_wait3A_268 : memref<40x128xf32, #tpu.memory_space<vmem>>)
    %dma_wait3A_274 = arith.constant 40 : i32
    %dma_wait3A_275 = arith.constant 0 : i32
    %dma_wait3A_276 = tpu.memref_slice %arg10[%dma_wait3A_274, %dma_wait3A_275] : memref<80x128xf32, #tpu.memory_space<vmem>> -> memref<40x128xf32, #tpu.memory_space<vmem>>
    %dma_wait3A_277 = arith.constant 40 : i32
    %dma_wait3A_278 = tpu.memref_slice %arg6[%dma_wait3A_277] : memref<80xi32, #tpu.memory_space<vmem>> -> memref<40xi32, #tpu.memory_space<vmem>>
    %dma_wait3A_279 = arith.constant 0 : i32
    %dma_wait3A_280 = arith.constant 0 : i32
    %dma_wait3A_281 = tpu.memref_slice %arg2[%dma_wait3A_279, %dma_wait3A_280] : memref<10000x128xf32, #tpu.memory_space<hbm>> -> memref<10000x128xf32, #tpu.memory_space<hbm>>
    tpu.wait_indirect_dma semaphore(%arg19 : memref<!tpu.dma_semaphore, #tpu.memory_space<semaphore_mem>>) src(%dma_wait3A_281 : memref<10000x128xf32, #tpu.memory_space<hbm>>) dst(%dma_wait3A_276 : memref<40x128xf32, #tpu.memory_space<vmem>>)
    %dma_start3A_282 = arith.constant 0 : i32
    %dma_start3A_283 = arith.constant 0 : i32
    %dma_start3A_284 = tpu.memref_slice %arg12[%dma_start3A_282, %dma_start3A_283] : memref<10240x128xf32, #tpu.memory_space<vmem_shared>> -> memref<10240x128xf32, #tpu.memory_space<vmem_shared>>
    tpu.enqueue_indirect_dma source(%arg10 : memref<80x128xf32, #tpu.memory_space<vmem>>) target(%dma_start3A_284 : memref<10240x128xf32, #tpu.memory_space<vmem_shared>>) offsets(%arg7 : memref<80xi32, #tpu.memory_space<vmem>>) semaphore(%arg15 : memref<!tpu.dma_semaphore, #tpu.memory_space<semaphore_mem>>) {add = true}
    %dma_wait3A_285 = arith.constant 0 : i32
    %dma_wait3A_286 = arith.constant 0 : i32
    %dma_wait3A_287 = tpu.memref_slice %arg12[%dma_wait3A_285, %dma_wait3A_286] : memref<10240x128xf32, #tpu.memory_space<vmem_shared>> -> memref<10240x128xf32, #tpu.memory_space<vmem_shared>>
    tpu.wait_indirect_dma semaphore(%arg16 : memref<!tpu.dma_semaphore, #tpu.memory_space<semaphore_mem>>) src(%arg11 : memref<80x128xf32, #tpu.memory_space<vmem>>) dst(%dma_wait3A_287 : memref<10240x128xf32, #tpu.memory_space<vmem_shared>>)
    %dma_wait3A_288 = arith.constant 0 : i32
    %dma_wait3A_289 = arith.constant 0 : i32
    %dma_wait3A_290 = tpu.memref_slice %arg12[%dma_wait3A_288, %dma_wait3A_289] : memref<10240x128xf32, #tpu.memory_space<vmem_shared>> -> memref<10240x128xf32, #tpu.memory_space<vmem_shared>>
    tpu.wait_indirect_dma semaphore(%arg15 : memref<!tpu.dma_semaphore, #tpu.memory_space<semaphore_mem>>) src(%arg10 : memref<80x128xf32, #tpu.memory_space<vmem>>) dst(%dma_wait3A_290 : memref<10240x128xf32, #tpu.memory_space<vmem_shared>>)
    %barrier3A_291 = arith.constant 0 : index
    tpu.barrier barrier_id(%barrier3A_291)
    %mul3A_292 = arith.constant 640 : i32
    %mul3A_293 = arith.muli %arg1, %mul3A_292 : i32
    %mul3A_294 = arith.constant 640 : i32
    %mul3A_295 = arith.muli %arg1, %mul3A_294 : i32
    "tpu.region"() ({
      %run_scoped3A = tpu.sem_alloc : memref<!tpu.dma_semaphore, #tpu.memory_space<semaphore_mem>>
      %dma_start3A_296 = arith.constant 0 : i32
      %dma_start3A_297 = tpu.memref_slice %arg4[%arg0, %mul3A_295, %dma_start3A_296] : memref<2x10240x128xf32, #tpu.memory_space<hbm>> -> memref<1x640x128xf32, #tpu.memory_space<hbm>>
      %dma_start3A_298 = tpu.memref_squeeze %dma_start3A_297 : memref<1x640x128xf32, #tpu.memory_space<hbm>> -> memref<640x128xf32, #tpu.memory_space<hbm>>
      %dma_start3A_299 = arith.constant 0 : i32
      %dma_start3A_300 = tpu.memref_slice %arg12[%mul3A_293, %dma_start3A_299] : memref<10240x128xf32, #tpu.memory_space<vmem_shared>> -> memref<640x128xf32, #tpu.memory_space<vmem_shared>>
      tpu.enqueue_dma source(%dma_start3A_300 : memref<640x128xf32, #tpu.memory_space<vmem_shared>>) target(%dma_start3A_298 : memref<640x128xf32, #tpu.memory_space<hbm>>) target_semaphore(%run_scoped3A : memref<!tpu.dma_semaphore, #tpu.memory_space<semaphore_mem>>)
      %dma_wait3A_301 = arith.constant 0 : i32
      %dma_wait3A_302 = tpu.memref_slice %arg4[%arg0, %mul3A_295, %dma_wait3A_301] : memref<2x10240x128xf32, #tpu.memory_space<hbm>> -> memref<1x640x128xf32, #tpu.memory_space<hbm>>
      %dma_wait3A_303 = tpu.memref_squeeze %dma_wait3A_302 : memref<1x640x128xf32, #tpu.memory_space<hbm>> -> memref<640x128xf32, #tpu.memory_space<hbm>>
      %dma_wait3A_304 = arith.constant 0 : i32
      %dma_wait3A_305 = tpu.memref_slice %arg12[%mul3A_293, %dma_wait3A_304] : memref<10240x128xf32, #tpu.memory_space<vmem_shared>> -> memref<640x128xf32, #tpu.memory_space<vmem_shared>>
      tpu.wait_dma2 semaphore(%run_scoped3A : memref<!tpu.dma_semaphore, #tpu.memory_space<semaphore_mem>>) src(%dma_wait3A_305 : memref<640x128xf32, #tpu.memory_space<vmem_shared>>) dst(%dma_wait3A_303 : memref<640x128xf32, #tpu.memory_space<hbm>>)
      tpu.yield
    }) : () -> ()
    return
  }
}

module attributes {stable_mosaic.version = 14 : i64} {
  func.func @_xliny_body(%arg0: memref<10000x128xf32, #tpu.memory_space<vmem>>, %arg1: memref<128x128xf32, #tpu.memory_space<vmem>>, %arg2: memref<2x10240xf32, #tpu.memory_space<vmem>>, %arg3: memref<10000x128xf32, #tpu.memory_space<vmem>>) attributes {dimension_semantics = [], scalar_prefetch = 0 : i64, scratch_operands = 0 : i64, tpu.core_type = #tpu.core_type<tc>} {
    %get3A = arith.constant 0 : index
    %get3A_0 = arith.constant 0 : index
    %get3A_1 = vector.load %arg2[%get3A, %get3A_0] : memref<2x10240xf32, #tpu.memory_space<vmem>>, vector<1x10000xf32>
    %get3A_2 = vector.shape_cast %get3A_1 : vector<1x10000xf32> to vector<10000xf32>
    %get3A_3 = arith.constant 1 : index
    %get3A_4 = arith.constant 0 : index
    %get3A_5 = vector.load %arg2[%get3A_3, %get3A_4] : memref<2x10240xf32, #tpu.memory_space<vmem>>, vector<1x10000xf32>
    %get3A_6 = vector.shape_cast %get3A_5 : vector<1x10000xf32> to vector<10000xf32>
    %add3A = arith.addf %get3A_2, %get3A_6 : vector<10000xf32>
    %add3A_7 = arith.constant 1.000000e+00 : f32
    %add3A_8 = vector.broadcast %add3A_7 : f32 to vector<10000xf32>
    %add3A_9 = arith.addf %add3A, %add3A_8 : vector<10000xf32>
    %rsqrt3A = math.rsqrt %add3A_9 : vector<10000xf32>
    %get3A_10 = arith.constant 0 : index
    %get3A_11 = arith.constant 0 : index
    %get3A_12 = vector.load %arg0[%get3A_10, %get3A_11] : memref<10000x128xf32, #tpu.memory_space<vmem>>, vector<10000x128xf32>
    %get3A_13 = arith.constant 0 : index
    %get3A_14 = arith.constant 0 : index
    %get3A_15 = vector.load %arg1[%get3A_13, %get3A_14] : memref<128x128xf32, #tpu.memory_space<vmem>>, vector<128x128xf32>
    %dot_general3A = arith.constant dense<0.000000e+00> : vector<10000x128xf32>
    %dot_general3A_16 = tpu.matmul %get3A_12, %get3A_15, %dot_general3A {dimension_numbers = #tpu.dot_dimension_numbers<[1], [0], [0], [1], [0, 0, 1, 1], [], []>, transpose_lhs_hint = false} : vector<10000x128xf32>, vector<128x128xf32>, vector<10000x128xf32> -> vector<10000x128xf32>
    %broadcast_in_dim3A = vector.shape_cast %rsqrt3A : vector<10000xf32> to vector<10000x1xf32>
    %mul3A = vector.broadcast %broadcast_in_dim3A : vector<10000x1xf32> to vector<10000x128xf32>
    %mul3A_17 = arith.mulf %dot_general3A_16, %mul3A : vector<10000x128xf32>
    %swap3A = arith.constant 0 : index
    %swap3A_18 = arith.constant 0 : index
    %swap3A_19 = vector.load %arg3[%swap3A, %swap3A_18] : memref<10000x128xf32, #tpu.memory_space<vmem>>, vector<10000x128xf32>
    tpu.vector_store %arg3[%swap3A, %swap3A_18], %mul3A_17 {strides = array<i32>} : memref<10000x128xf32, #tpu.memory_space<vmem>>, vector<10000x128xf32>,
    return
  }
}

module attributes {stable_mosaic.version = 14 : i64} {
  func.func @_final_body(%arg0: memref<10000x128xf32, #tpu.memory_space<vmem>>, %arg1: memref<10000x128xf32, #tpu.memory_space<vmem>>, %arg2: memref<2x10240xf32, #tpu.memory_space<vmem>>, %arg3: memref<2x10240x128xf32, #tpu.memory_space<vmem>>, %arg4: memref<128xf32, #tpu.memory_space<vmem>>, %arg5: memref<128xf32, #tpu.memory_space<vmem>>, %arg6: memref<128xf32, #tpu.memory_space<vmem>>, %arg7: memref<128x256xf32, #tpu.memory_space<vmem>>, %arg8: memref<256xf32, #tpu.memory_space<vmem>>, %arg9: memref<256x128xf32, #tpu.memory_space<vmem>>, %arg10: memref<128xf32, #tpu.memory_space<vmem>>, %arg11: memref<128xf32, #tpu.memory_space<vmem>>, %arg12: memref<128xf32, #tpu.memory_space<vmem>>, %arg13: memref<10000x128xf32, #tpu.memory_space<vmem>>) attributes {dimension_semantics = [], scalar_prefetch = 0 : i64, scratch_operands = 0 : i64, tpu.core_type = #tpu.core_type<tc>} {
    %get3A = arith.constant 0 : index
    %get3A_0 = arith.constant 0 : index
    %get3A_1 = vector.load %arg2[%get3A, %get3A_0] : memref<2x10240xf32, #tpu.memory_space<vmem>>, vector<1x10000xf32>
    %get3A_2 = vector.shape_cast %get3A_1 : vector<1x10000xf32> to vector<10000xf32>
    %get3A_3 = arith.constant 1 : index
    %get3A_4 = arith.constant 0 : index
    %get3A_5 = vector.load %arg2[%get3A_3, %get3A_4] : memref<2x10240xf32, #tpu.memory_space<vmem>>, vector<1x10000xf32>
    %get3A_6 = vector.shape_cast %get3A_5 : vector<1x10000xf32> to vector<10000xf32>
    %add3A = arith.addf %get3A_2, %get3A_6 : vector<10000xf32>
    %add3A_7 = arith.constant 1.000000e+00 : f32
    %add3A_8 = vector.broadcast %add3A_7 : f32 to vector<10000xf32>
    %add3A_9 = arith.addf %add3A, %add3A_8 : vector<10000xf32>
    %rsqrt3A = math.rsqrt %add3A_9 : vector<10000xf32>
    %get3A_10 = arith.constant 0 : index
    %get3A_11 = arith.constant 0 : index
    %get3A_12 = vector.load %arg1[%get3A_10, %get3A_11] : memref<10000x128xf32, #tpu.memory_space<vmem>>, vector<10000x128xf32>
    %get3A_13 = arith.constant 0 : index
    %get3A_14 = arith.constant 0 : index
    %get3A_15 = arith.constant 0 : index
    %get3A_16 = vector.load %arg3[%get3A_13, %get3A_14, %get3A_15] : memref<2x10240x128xf32, #tpu.memory_space<vmem>>, vector<1x10000x128xf32>
    %get3A_17 = vector.shape_cast %get3A_16 : vector<1x10000x128xf32> to vector<10000x128xf32>
    %get3A_18 = arith.constant 1 : index
    %get3A_19 = arith.constant 0 : index
    %get3A_20 = arith.constant 0 : index
    %get3A_21 = vector.load %arg3[%get3A_18, %get3A_19, %get3A_20] : memref<2x10240x128xf32, #tpu.memory_space<vmem>>, vector<1x10000x128xf32>
    %get3A_22 = vector.shape_cast %get3A_21 : vector<1x10000x128xf32> to vector<10000x128xf32>
    %add3A_23 = arith.addf %get3A_17, %get3A_22 : vector<10000x128xf32>
    %add3A_24 = arith.addf %add3A_23, %get3A_12 : vector<10000x128xf32>
    %broadcast_in_dim3A = vector.shape_cast %rsqrt3A : vector<10000xf32> to vector<10000x1xf32>
    %mul3A = vector.broadcast %broadcast_in_dim3A : vector<10000x1xf32> to vector<10000x128xf32>
    %mul3A_25 = arith.mulf %add3A_24, %mul3A : vector<10000x128xf32>
    %get3A_26 = arith.constant 0 : index
    %get3A_27 = vector.load %arg4[%get3A_26] : memref<128xf32, #tpu.memory_space<vmem>>, vector<128xf32>
    %broadcast_in_dim3A_28 = vector.shape_cast %get3A_27 : vector<128xf32> to vector<1x128xf32>
    %add3A_29 = vector.broadcast %broadcast_in_dim3A_28 : vector<1x128xf32> to vector<10000x128xf32>
    %add3A_30 = arith.addf %mul3A_25, %add3A_29 : vector<10000x128xf32>
    %get3A_31 = arith.constant 0 : index
    %get3A_32 = arith.constant 0 : index
    %get3A_33 = vector.load %arg0[%get3A_31, %get3A_32] : memref<10000x128xf32, #tpu.memory_space<vmem>>, vector<10000x128xf32>
    %add3A_34 = arith.addf %get3A_33, %add3A_30 : vector<10000x128xf32>
    %reduce_sum3A = arith.constant dense<0.000000e+00> : vector<128xf32>
    %reduce_sum3A_35 = vector.multi_reduction <add>, %add3A_34, %reduce_sum3A [0] : vector<10000x128xf32> to vector<128xf32>
    %div3A = arith.constant 1.000000e+04 : f32
    %div3A_36 = vector.broadcast %div3A : f32 to vector<128xf32>
    %div3A_37 = arith.divf %reduce_sum3A_35, %div3A_36 : vector<128xf32>
    %broadcast_in_dim3A_38 = vector.shape_cast %div3A_37 : vector<128xf32> to vector<1x128xf32>
    %sub3A = vector.broadcast %broadcast_in_dim3A_38 : vector<1x128xf32> to vector<10000x128xf32>
    %sub3A_39 = arith.subf %add3A_34, %sub3A : vector<10000x128xf32>
    %mul3A_40 = arith.mulf %sub3A_39, %sub3A_39 : vector<10000x128xf32>
    %reduce_sum3A_41 = arith.constant dense<0.000000e+00> : vector<128xf32>
    %reduce_sum3A_42 = vector.multi_reduction <add>, %mul3A_40, %reduce_sum3A_41 [0] : vector<10000x128xf32> to vector<128xf32>
    %div3A_43 = arith.constant 1.000000e+04 : f32
    %div3A_44 = vector.broadcast %div3A_43 : f32 to vector<128xf32>
    %div3A_45 = arith.divf %reduce_sum3A_42, %div3A_44 : vector<128xf32>
    %add3A_46 = arith.constant 9.99999974E-6 : f32
    %add3A_47 = vector.broadcast %add3A_46 : f32 to vector<128xf32>
    %add3A_48 = arith.addf %div3A_45, %add3A_47 : vector<128xf32>
    %rsqrt3A_49 = math.rsqrt %add3A_48 : vector<128xf32>
    %broadcast_in_dim3A_50 = vector.shape_cast %rsqrt3A_49 : vector<128xf32> to vector<1x128xf32>
    %mul3A_51 = vector.broadcast %broadcast_in_dim3A_50 : vector<1x128xf32> to vector<10000x128xf32>
    %mul3A_52 = arith.mulf %sub3A_39, %mul3A_51 : vector<10000x128xf32>
    %get3A_53 = arith.constant 0 : index
    %get3A_54 = vector.load %arg5[%get3A_53] : memref<128xf32, #tpu.memory_space<vmem>>, vector<128xf32>
    %broadcast_in_dim3A_55 = vector.shape_cast %get3A_54 : vector<128xf32> to vector<1x128xf32>
    %mul3A_56 = vector.broadcast %broadcast_in_dim3A_55 : vector<1x128xf32> to vector<10000x128xf32>
    %mul3A_57 = arith.mulf %mul3A_52, %mul3A_56 : vector<10000x128xf32>
    %get3A_58 = arith.constant 0 : index
    %get3A_59 = vector.load %arg6[%get3A_58] : memref<128xf32, #tpu.memory_space<vmem>>, vector<128xf32>
    %broadcast_in_dim3A_60 = vector.shape_cast %get3A_59 : vector<128xf32> to vector<1x128xf32>
    %add3A_61 = vector.broadcast %broadcast_in_dim3A_60 : vector<1x128xf32> to vector<10000x128xf32>
    %add3A_62 = arith.addf %mul3A_57, %add3A_61 : vector<10000x128xf32>
    %get3A_63 = arith.constant 0 : index
    %get3A_64 = arith.constant 0 : index
    %get3A_65 = vector.load %arg7[%get3A_63, %get3A_64] : memref<128x256xf32, #tpu.memory_space<vmem>>, vector<128x256xf32>
    %dot_general3A = arith.constant dense<0.000000e+00> : vector<10000x256xf32>
    %dot_general3A_66 = tpu.matmul %add3A_62, %get3A_65, %dot_general3A {dimension_numbers = #tpu.dot_dimension_numbers<[1], [0], [0], [1], [0, 0, 1, 1], [], []>, transpose_lhs_hint = false} : vector<10000x128xf32>, vector<128x256xf32>, vector<10000x256xf32> -> vector<10000x256xf32>
    %get3A_67 = arith.constant 0 : index
    %get3A_68 = vector.load %arg8[%get3A_67] : memref<256xf32, #tpu.memory_space<vmem>>, vector<256xf32>
    %broadcast_in_dim3A_69 = vector.shape_cast %get3A_68 : vector<256xf32> to vector<1x256xf32>
    %add3A_70 = vector.broadcast %broadcast_in_dim3A_69 : vector<1x256xf32> to vector<10000x256xf32>
    %add3A_71 = arith.addf %dot_general3A_66, %add3A_70 : vector<10000x256xf32>
    %max3A = arith.constant 0.000000e+00 : f32
    %max3A_72 = vector.broadcast %max3A : f32 to vector<10000x256xf32>
    %max3A_73 = arith.maximumf %add3A_71, %max3A_72 : vector<10000x256xf32>
    %get3A_74 = arith.constant 0 : index
    %get3A_75 = arith.constant 0 : index
    %get3A_76 = vector.load %arg9[%get3A_74, %get3A_75] : memref<256x128xf32, #tpu.memory_space<vmem>>, vector<256x128xf32>
    %dot_general3A_77 = arith.constant dense<0.000000e+00> : vector<10000x128xf32>
    %dot_general3A_78 = tpu.matmul %max3A_73, %get3A_76, %dot_general3A_77 {dimension_numbers = #tpu.dot_dimension_numbers<[1], [0], [0], [1], [0, 0, 1, 1], [], []>, transpose_lhs_hint = false} : vector<10000x256xf32>, vector<256x128xf32>, vector<10000x128xf32> -> vector<10000x128xf32>
    %get3A_79 = arith.constant 0 : index
    %get3A_80 = vector.load %arg10[%get3A_79] : memref<128xf32, #tpu.memory_space<vmem>>, vector<128xf32>
    %broadcast_in_dim3A_81 = vector.shape_cast %get3A_80 : vector<128xf32> to vector<1x128xf32>
    %add3A_82 = vector.broadcast %broadcast_in_dim3A_81 : vector<1x128xf32> to vector<10000x128xf32>
    %add3A_83 = arith.addf %dot_general3A_78, %add3A_82 : vector<10000x128xf32>
    %add3A_84 = arith.addf %add3A_62, %add3A_83 : vector<10000x128xf32>
    %reduce_sum3A_85 = arith.constant dense<0.000000e+00> : vector<128xf32>
    %reduce_sum3A_86 = vector.multi_reduction <add>, %add3A_84, %reduce_sum3A_85 [0] : vector<10000x128xf32> to vector<128xf32>
    %div3A_87 = arith.constant 1.000000e+04 : f32
    %div3A_88 = vector.broadcast %div3A_87 : f32 to vector<128xf32>
    %div3A_89 = arith.divf %reduce_sum3A_86, %div3A_88 : vector<128xf32>
    %broadcast_in_dim3A_90 = vector.shape_cast %div3A_89 : vector<128xf32> to vector<1x128xf32>
    %sub3A_91 = vector.broadcast %broadcast_in_dim3A_90 : vector<1x128xf32> to vector<10000x128xf32>
    %sub3A_92 = arith.subf %add3A_84, %sub3A_91 : vector<10000x128xf32>
    %mul3A_93 = arith.mulf %sub3A_92, %sub3A_92 : vector<10000x128xf32>
    %reduce_sum3A_94 = arith.constant dense<0.000000e+00> : vector<128xf32>
    %reduce_sum3A_95 = vector.multi_reduction <add>, %mul3A_93, %reduce_sum3A_94 [0] : vector<10000x128xf32> to vector<128xf32>
    %div3A_96 = arith.constant 1.000000e+04 : f32
    %div3A_97 = vector.broadcast %div3A_96 : f32 to vector<128xf32>
    %div3A_98 = arith.divf %reduce_sum3A_95, %div3A_97 : vector<128xf32>
    %add3A_99 = arith.constant 9.99999974E-6 : f32
    %add3A_100 = vector.broadcast %add3A_99 : f32 to vector<128xf32>
    %add3A_101 = arith.addf %div3A_98, %add3A_100 : vector<128xf32>
    %rsqrt3A_102 = math.rsqrt %add3A_101 : vector<128xf32>
    %broadcast_in_dim3A_103 = vector.shape_cast %rsqrt3A_102 : vector<128xf32> to vector<1x128xf32>
    %mul3A_104 = vector.broadcast %broadcast_in_dim3A_103 : vector<1x128xf32> to vector<10000x128xf32>
    %mul3A_105 = arith.mulf %sub3A_92, %mul3A_104 : vector<10000x128xf32>
    %get3A_106 = arith.constant 0 : index
    %get3A_107 = vector.load %arg11[%get3A_106] : memref<128xf32, #tpu.memory_space<vmem>>, vector<128xf32>
    %broadcast_in_dim3A_108 = vector.shape_cast %get3A_107 : vector<128xf32> to vector<1x128xf32>
    %mul3A_109 = vector.broadcast %broadcast_in_dim3A_108 : vector<1x128xf32> to vector<10000x128xf32>
    %mul3A_110 = arith.mulf %mul3A_105, %mul3A_109 : vector<10000x128xf32>
    %get3A_111 = arith.constant 0 : index
    %get3A_112 = vector.load %arg12[%get3A_111] : memref<128xf32, #tpu.memory_space<vmem>>, vector<128xf32>
    %broadcast_in_dim3A_113 = vector.shape_cast %get3A_112 : vector<128xf32> to vector<1x128xf32>
    %add3A_114 = vector.broadcast %broadcast_in_dim3A_113 : vector<1x128xf32> to vector<10000x128xf32>
    %add3A_115 = arith.addf %mul3A_110, %add3A_114 : vector<10000x128xf32>
    %swap3A = arith.constant 0 : index
    %swap3A_116 = arith.constant 0 : index
    %swap3A_117 = vector.load %arg13[%swap3A, %swap3A_116] : memref<10000x128xf32, #tpu.memory_space<vmem>>, vector<10000x128xf32>
    tpu.vector_store %arg13[%swap3A, %swap3A_116], %add3A_115 {strides = array<i32>} : memref<10000x128xf32, #tpu.memory_space<vmem>>, vector<10000x128xf32>,
    return
  }
}

</mosaic_0001>

<sc_bundles>
// kernel: kernel.6.cloned.1.call-start
scs
__scs_entry_jumppad:
0x0: {  	(pc) =	sbr.rel $0x88, $3  }
0x1: {  	(tag) =	ssettag $0x0;
	lr =	simm.s32 $0x1  }
0x2: {  	[smem:$0x3F95] =	sst lr;
	_ =	strace $0xD0000000  }
0x3: {  	_ = 	snop  }
0x4: {  	_ = 	snop  }
0x5: {  	_ = 	snop  }
0x6: {  	_ = 	snop  }
0x7: {  	_ = 	snop  }
__scs_overlays_trampoline_lowered:
0x8: {  	[smem:$0x3FA4] =	sst s0  }
0x9: {  	[smem:$0x3FA5] =	sst s1  }
0xa: {  	[smem:$0x3FA6] =	sst s2  }
0xb: {  	[smem:$0x3FA7] =	sst s3  }
0xc: {  	[smem:$0x3FA8] =	sst s4  }
0xd: {  	[smem:$0x3FA9] =	sst s5  }
0xe: {  	[smem:$0x3FAA] =	sst s6  }
0xf: {  	[smem:$0x3FAB] =	sst s7  }
0x10: {  	[smem:$0x3FAC] =	sst s8  }
0x11: {  	[smem:$0x3FAD] =	sst s9;
	s0 =	simm.s32 @!p0 $0x0  }
0x12: {  	s1 =	sld [smem:$0x3F93];
	s0 =	simm.s32 @p0 $0x1  }
0x13: {  	[smem:$0x3FAE] =	sst s0;
	s0 =	simm.s32 @!p1 $0x0  }
0x14: {  	s2 =	sld [smem:$0x3F92];
	s0 =	simm.s32 @p1 $0x1  }
0x15: {  	[smem:$0x3FAF] =	sst s0;
	s0 =	simm.s32 @!p2 $0x0  }
0x16: {  	s3 =	sld [smem:$0x3FDB];
	s0 =	simm.s32 @p2 $0x1  }
0x17: {  	s4 =	simm.s32 $0x1BF5;
	[smem:$0x3FB1] =	sst s0  }
0x18: {  	s0 =	sld [smem:$0x3F94];
	_ =	swait.ge [sflag:s4], $0x0  }
0x19: {  	s7 =	sld [smem:$0x3F95]  }
0x1a: {  	s8 =	sadd.s32 $0xFFFFE003, lr  }
0x1b: {  	s9 =	sadd.s32 $0xFFFFFEF7, lr;
	s5 =	simm.s32 $0xFFFFFFFF;
	p2 =	slt.u32 s8, $0xFFFFF086  }
0x1c: {  	p1 =	slt.u32 s9, $0xF7A;
	s5 =	simm.s32 @!p2 $0x0  }
0x1d: {  	s5 =	simm.s32 @p1 $0x1;
	p0 =	seq.s32 s7, s2  }
0x1e: {  	s7 =	smul.u32 @!p0 $0xF7A, s2;
	p2 =	seq.s32 @!p0 s5, $0x0  }
0x1f: {  	s9 =	smul.u32 $0xF7A, s1;
	s8 =	simm.s32 @!p0 $0x1BF5;
	p2 =	por !p2, p0  }
0x20: {  	[sflag:s8] =	ssyncset.s32 @!p0 $0xFFFFF086;
	s6 =	sadd.s32 @!p0 s3, s7;
	s7 =	simm.s32 @!p0 $0x108  }
0x21: {  	s3 =	sadd.s32 s3, s9;
	s6 =	sadd.s32 @!p0 $0x88, s6;
	s7 =	simm.s32 @p2 $0x1082  }
0x22: {  	[simem:s7], [sflag:s8] =	dma.local @!p0 [hbm:s6], $0xF7A  }
0x23: {  	s9 =	sor.u32 $0xD0000000, s2;
	s6 =	simm.s32 $0x108;
	_ =	swait.ge @!p0 [sflag:s8], $0x0  }
0x24: {  	s3 =	sadd.s32 $0x88, s3;
	s6 =	simm.s32 @!p1 $0x1082;
	[sflag:s4] =	ssyncset.s32 $0xFFFFF086  }
0x25: {  	[simem:s6], [sflag:s4] =	dma.local [hbm:s3], $0xF7A  }
0x26: {  	[smem:$0x3F95] =	sst s1;
	(tag) =	ssettag s2;
	_ =	strace s9  }
0x27: {  	s1 =	sld [smem:$0x3FA5]  }
0x28: {  	s2 =	sld [smem:$0x3FA6]  }
0x29: {  	s4 =	sld [smem:$0x3FA8]  }
0x2a: {  	p0 =	seq.s32 s5, $0x0;
	s5 =	sld [smem:$0x3FA9]  }
0x2b: {  	s6 =	sld [smem:$0x3FAA]  }
0x2c: {  	s7 =	sld [smem:$0x3FAB]  }
0x2d: {  	s3 =	simm.s32 $0x108;
	s8 =	sld [smem:$0x3FAC]  }
0x2e: {  	s3 =	simm.s32 @!p0 $0x1082;
	s9 =	sld [smem:$0x3FAD]  }
0x2f: {  	lr =	sadd.s32 s0, s3;
	s0 =	sld [smem:$0x3FA4]  }
0x30: {  	s3 =	sld [smem:$0x3FA7]  }
0x31: {  	[smem:$0x3FB0] =	sst s10  }
0x32: {  	s10 =	sld [smem:$0x3FAE];
	_ =	sdelay $0x3  }
0x33: {  	p0 =	seq.s32 s10, $0x1;
	s10 =	sld [smem:$0x3FB0];
	_ =	sdelay $0x3  }
0x34: {  	[smem:$0x3FB0] =	sst s10  }
0x35: {  	s10 =	sld [smem:$0x3FAF];
	_ =	sdelay $0x3  }
0x36: {  	p1 =	seq.s32 s10, $0x1;
	s10 =	sld [smem:$0x3FB0];
	_ =	sdelay $0x3  }
0x37: {  	[smem:$0x3FB0] =	sst s10  }
0x38: {  	s10 =	sld [smem:$0x3FB1]  }
0x39: {  	_ = 	snop;
	(pc) =	sbr.ind lr, $3  }
0x3a: {  	_ = 	snop  }
0x3b: {  	_ = 	snop  }
0x3c: {  	p2 =	seq.s32 s10, $0x1;
	s10 =	sld [smem:$0x3FB0]  }
0x3d: {  	_ =	shalt  }
0x3e: {  	_ =	shalt  }
0x3f: {  	_ =	shalt  }
0x40: {  	_ =	shalt  }
0x41: {  	_ =	shalt  }
0x42: {  	_ =	shalt  }
0x43: {  	_ =	shalt  }
0x44: {  	_ =	shalt  }
0x45: {  	_ =	shalt  }
0x46: {  	_ =	shalt  }
0x47: {  	_ =	shalt  }
0x48: {  	_ =	shalt  }
0x49: {  	_ =	shalt  }
0x4a: {  	_ =	shalt  }
0x4b: {  	_ =	shalt  }
0x4c: {  	_ =	shalt  }
0x4d: {  	_ =	shalt  }
0x4e: {  	_ =	shalt  }
0x4f: {  	_ =	shalt  }
0x50: {  	_ =	shalt  }
0x51: {  	_ =	shalt  }
0x52: {  	_ =	shalt  }
0x53: {  	_ =	shalt  }
0x54: {  	_ =	shalt  }
0x55: {  	_ =	shalt  }
0x56: {  	_ =	shalt  }
0x57: {  	_ =	shalt  }
0x58: {  	_ =	shalt  }
0x59: {  	_ =	shalt  }
0x5a: {  	_ =	shalt  }
0x5b: {  	_ =	shalt  }
0x5c: {  	_ =	shalt  }
0x5d: {  	_ =	shalt  }
0x5e: {  	_ =	shalt  }
0x5f: {  	_ =	shalt  }
0x60: {  	_ =	shalt  }
0x61: {  	_ =	shalt  }
0x62: {  	_ =	shalt  }
0x63: {  	_ =	shalt  }
0x64: {  	_ =	shalt  }
0x65: {  	_ =	shalt  }
0x66: {  	_ =	shalt  }
0x67: {  	_ =	shalt  }
0x68: {  	_ =	shalt  }
0x69: {  	_ =	shalt  }
0x6a: {  	_ =	shalt  }
0x6b: {  	_ =	shalt  }
0x6c: {  	_ =	shalt  }
0x6d: {  	_ =	shalt  }
0x6e: {  	_ =	shalt  }
0x6f: {  	_ =	shalt  }
0x70: {  	_ =	shalt  }
0x71: {  	_ =	shalt  }
0x72: {  	_ =	shalt  }
0x73: {  	_ =	shalt  }
0x74: {  	_ =	shalt  }
0x75: {  	_ =	shalt  }
0x76: {  	_ =	shalt  }
0x77: {  	_ =	shalt  }
0x78: {  	_ =	shalt  }
0x79: {  	_ =	shalt  }
0x7a: {  	_ =	shalt  }
0x7b: {  	_ =	shalt  }
0x7c: {  	_ =	shalt  }
0x7d: {  	_ =	shalt  }
0x7e: {  	_ =	shalt  }
0x7f: {  	_ =	shalt  }
0x80: {  	_ =	shalt  }
0x81: {  	_ =	shalt  }
0x82: {  	_ =	shalt  }
0x83: {  	_ =	shalt  }
0x84: {  	_ =	shalt  }
0x85: {  	_ =	shalt  }
0x86: {  	_ =	shalt  }
0x87: {  	_ =	shalt  }
.Lfunc_end0:
.L_simem_size_0:
called_computation_lowered:
.L_overlay_start_0:
0x88: {  	s2 =	sld [smem:$0x3FD9]  }
0x89: {  	s3 =	sld [smem:$0x3FFE];
	_ =	sdelay $0x1  }
0x8a: {  	s1 =	srdreg.scid  }
0x8b: {  	s0 =	sand.u32 $0x1, s1  }
0x8c: {  	s17 =	sshll.u32 s0, $0xA;
	s2 =	sadd.s32 s3, s2  }
0x8d: {  	s2 =	sadd.s32 s2, s17  }
0x8e: {  	[smem:$0x3FBC] =	sst s2  }
0x8f: {  	_ = 	snop  }
0x90: {  	s2 =	sld [smem:$0x3FD0];
	(tm) =	ssettm $0x1  }
0x91: {  	s18 =	sld [smem:$0x3FFB];
	_ =	sdelay $0x3  }
0x92: {  	_ =	strace s18  }
0x93: {  	s3 =	sld [smem:$0x3FFC];
	_ =	sdelay $0x3  }
0x94: {  	_ =	strace s3  }
0x95: {  	s3 =	sld [smem:$0x3FFD];
	_ =	sdelay $0x3  }
0x96: {  	_ =	strace s3  }
0x97: {  	_ =	strace $0x8FFFFFFF  }
0x98: {  	s19 =	sld [smem:$0x3FDB];
	_ =	sdelay $0x1  }
0x99: {  	s4 =	simm.s32 $_scs_section_size  }
0x9a: {  	s5 =	simm.s32 $_size__tile_overlayer_lowered;
	s6 =	simm.s32 $_tile_overlayer_lowered  }
0x9b: {  	s22 =	simm.s32 $0x1BFF;
	s21 =	sshll.u32 s6, $0x1;
	s3 =	sadd.s32 s4, s19  }
0x9c: {  	s7 =	simm.s32 $0x0;
	s20 =	sshll.u32 s5, $0x1;
	s5 =	sadd.s32 s21, s3  }
0x9d: {  	[timem:s7], [sflag:s22] =	dma.local [hbm:s5], s20  }
0x9e: {  	_ =	swait.ge [sflag:s22], s20  }
0x9f: {  	s4 =	ssub.s32 $0x0, s20;
	[sflag:s22] =	ssyncset.done $0x0  }
0xa0: {  	[sflag:s22] =	ssyncadd.s32 s4;
	_ =	sdelay $0x1  }
0xa1: {  	s23 =	simm.s32 $0x1B8B  }
0xa2: {  	_ =	swait.ge [sflag:s23], $0x1  }
0xa3: {  	[sflag:s23] =	ssyncset.done $0x0  }
0xa4: {  	s25 =	simm.s32 $0x1B8E;
	s24 =	sld [smem:$0x3FFE];
	[sflag:s23] =	ssyncadd.s32 $0xFFFFFFFF  }
0xa5: {  	s26 =	simm.s32 $execute0_lowered;
	[smem:$0x3FD2] =	sst s25  }
0xa6: {  	s5 =	sshll.u32 s26, $0x1;
	_ =	strace $0x80000046;
	[dreg:$0x1] =	wrdreg $0xFFFFFFFF  }
0xa7: {  	s28 =	simm.s32 $_size_execute0_lowered;
	s3 =	sadd.s32 s3, s5;
	[dreg:$0x0] =	wrdreg $0x0  }
0xa8: {  	s5 =	sshll.u32 s28, $0x1;
	[dreg:$0x2] =	wrdreg s3  }
0xa9: {  	[dreg:$0x3] =	wrdreg s5  }
0xaa: {  	[dreg:$0x4] =	wrdreg $0xC0  }
0xab: {  	_ =	task [dreg:s7], $0x5FFFF  }
0xac: {  	[dreg:$0x1] =	wrdreg $0xFFFFFFFF  }
0xad: {  	[dreg:$0x0] =	wrdreg $0x60  }
0xae: {  	[dreg:$0x2] =	wrdreg s2  }
0xaf: {  	[dreg:$0x3] =	wrdreg s24  }
0xb0: {  	[dreg:$0x4] =	wrdreg $0x43000  }
0xb1: {  	[dreg:$0x5] =	wrdreg $0x9  }
0xb2: {  	_ =	task.clear_ibuf [dreg:s7], $0x6FFFF;
	_ =	strace $0x90000046  }
0xb3: {  	s29 =	simm.s32 $0x9;
	_ =	strace $0x80000048  }
0xb4: {  	_ =	swait.ge [sflag:s29], $0x1  }
0xb5: {  	[sflag:s29] =	ssyncadd.s32 $0xFFFFFFFF  }
0xb6: {  	_ =	strace $0x90000048  }
0xb7: {  	_ =	sfence  }
0xb8: {  	s30 =	sld [smem:$0x0];
	_ =	sdelay $0x2  }
0xb9: {  	s31 =	sshll.u32 s1, $0xD;
	s1 =	sshrl.u32 s1, $0x2  }
0xba: {  	s3 =	sand.u32 $0x4000, s31;
	s1 =	sadd.s32 s1, s30  }
0xbb: {  	s0 =	sor.u32 s3, s0;
	s1 =	sshll.u32 s1, $0x11  }
0xbc: {  	s0 =	sor.u32 s1, s0  }
0xbd: {  	s0 =	sadd.s32 $0x8F2B, s0  }
0xbe: {  	[sflag:s0] =	ssyncadd.remote.s32 $0x1  }
0xbf: {  	_ =	sfence.sel $0xFFFF  }
0xc0: {  	[dreg:$0x0] =	wrdreg $0xFFFFFFFF;
	(pc) =	sbr.abs _section_cstart, $3  }
0xc1: {  	[dreg:$0x1] =	wrdreg $0xFFFFFFFF  }
0xc2: {  	_ =	task.clear_ibuf [dreg:s7], $0x2FFFF;
	_ =	strace $0x9FFFFFFF  }
0xc3: {  	(tm) =	ssettm $0x7FFFFFFF  }
tec
execute0_lowered:
.L_overlay_start_1:
0x0: {  	(tag) =	ssettag $0x1  }
0x1: {  	s4 =	rddreg [dreg:$0x0]  }
0x2: {  	s5 =	rddreg [dreg:$0x1]  }
0x3: {  	s2 =	rddreg [dreg:$0x2]  }
0x4: {  	s0 =	rddreg [dreg:$0x3]  }
0x5: {  	s6 =	srdreg.scid;
	s1 =	stileid.u32;
	s3 =	simm.s32 $0x0  }
0x6: {  	s11 =	simm.s32 $0x50;
	s12 =	simm.s32 $0x4000;
	s13 =	simm.s32 $0x80  }
0x7: {  	s14 =	simm.s32 $0x100;
	s15 =	simm.s32 $0x180;
	s16 =	simm.s32 $0x200  }
0x8: {  	s17 =	simm.s32 $0x280;
	s18 =	simm.s32 $0x300;
	s19 =	simm.s32 $0x380  }
0x9: {  	s20 =	simm.s32 $0x2;
	s23 =	simm.s32 $0x20;
	s24 =	simm.s32 $0x10  }
0xa: {  	s25 =	simm.s32 $0x0;
	s6 =	sand.u32 $0x1, s6;
	s7 =	smul.u32 $0x500, s1  }
0xb: {  	[smem:$0x7FF] =	sst s3;
	s9 =	smul.u32 $0xA00, s1;
	s10 =	sshll.u32 s1, $0xC  }
0xc: {  	s21 =	sshll.u32 s1, $0x6;
	s8 =	sshll.u32 s6, $0x7;
	_ =	strace $0x80000047  }
0xd: {  	s29 =	ssub.s32 $0x2, s6;
	s6 =	sshll.u32 s6, $0xB;
	s21 =	sor.u32 $0x1C03, s21  }
0xe: {  	s7 =	sor.u32 s8, s7;
	s30 =	sshrl.u32 s29, $0x1;
	s4 =	sadd.s32 s4, s6  }
0xf: {  	s31 =	sshrl.u32 s9, $0x2;
	s9 =	simm.s32 $0x3;
	s7 =	sshrl.u32 s7, $0x3  }
0x10: {  	s8 =	ssub.s32 s29, s30;
	s4 =	sadd.s32 s10, s4;
	s7 =	sadd.s32 s7, s5  }
0x11: {  	s10 =	simm.s32 $0x1;
	s5 =	sadd.s32 s31, s2;
	s6 =	sadd.s32 $0x2600, s7  }
0x12: {  	v0 =	vimm.f32 $1.000000000e+00;
	v1 =	vimm.f32 $0.0e+00;
	s7 =	smax.u32 s8, $0x1;
	s8 =	simm.s32 $0x4080;
	s22 =	sshrl.u32 s5, $0x3  }
.LBB2_1:
0x13: {  	[tilespmem:s3], [sflag:$0x1] =	stream.linear.gather [hbm4b:s4+s3], $0x3E80, $0x38;
	[tilespmem:$0x4580] =	vst v63  }
0x14: {  	[tilespmem:$0x4000] =	vst v0  }
0x15: {  	[tilespmem:$0x4010] =	vst v0  }
0x16: {  	[tilespmem:$0x4020] =	vst v0  }
0x17: {  	[tilespmem:$0x4030] =	vst v0  }
0x18: {  	[tilespmem:$0x4040] =	vst v0  }
0x19: {  	[tilespmem:$0x4080] =	vst v1  }
0x1a: {  	[tilespmem:$0x4090] =	vst v1  }
0x1b: {  	[tilespmem:$0x40A0] =	vst v1  }
0x1c: {  	[tilespmem:$0x40B0] =	vst v1  }
0x1d: {  	[tilespmem:$0x40C0] =	vst v1  }
0x1e: {  	[tilespmem:$0x40D0] =	vst v1  }
0x1f: {  	[tilespmem:$0x40E0] =	vst v1  }
0x20: {  	[tilespmem:$0x40F0] =	vst v1  }
0x21: {  	[tilespmem:$0x4100] =	vst v1  }
0x22: {  	[tilespmem:$0x4110] =	vst v1  }
0x23: {  	[tilespmem:$0x4120] =	vst v1  }
0x24: {  	[tilespmem:$0x4130] =	vst v1  }
0x25: {  	[tilespmem:$0x4140] =	vst v1  }
0x26: {  	[tilespmem:$0x4150] =	vst v1  }
0x27: {  	[tilespmem:$0x4160] =	vst v1  }
0x28: {  	[tilespmem:$0x4170] =	vst v1  }
0x29: {  	[tilespmem:$0x4180] =	vst v1  }
0x2a: {  	[tilespmem:$0x4190] =	vst v1  }
0x2b: {  	[tilespmem:$0x41A0] =	vst v1  }
0x2c: {  	[tilespmem:$0x41B0] =	vst v1  }
0x2d: {  	[tilespmem:$0x41C0] =	vst v1  }
0x2e: {  	[tilespmem:$0x41D0] =	vst v1  }
0x2f: {  	[tilespmem:$0x41E0] =	vst v1  }
0x30: {  	[tilespmem:$0x41F0] =	vst v1  }
0x31: {  	[tilespmem:$0x4200] =	vst v1  }
0x32: {  	[tilespmem:$0x4210] =	vst v1  }
0x33: {  	[tilespmem:$0x4220] =	vst v1  }
0x34: {  	[tilespmem:$0x4230] =	vst v1  }
0x35: {  	[tilespmem:$0x4240] =	vst v1  }
0x36: {  	[tilespmem:$0x4250] =	vst v1  }
0x37: {  	[tilespmem:$0x4260] =	vst v1  }
0x38: {  	[tilespmem:$0x4270] =	vst v1  }
0x39: {  	[tilespmem:$0x4280] =	vst v1  }
0x3a: {  	[tilespmem:$0x4290] =	vst v1  }
0x3b: {  	[tilespmem:$0x42A0] =	vst v1  }
0x3c: {  	[tilespmem:$0x42B0] =	vst v1  }
0x3d: {  	[tilespmem:$0x42C0] =	vst v1  }
0x3e: {  	[tilespmem:$0x42D0] =	vst v1  }
0x3f: {  	[tilespmem:$0x42E0] =	vst v1  }
0x40: {  	[tilespmem:$0x42F0] =	vst v1  }
0x41: {  	[spmem:s5] =	stream.linear.scatter [tilespmem:s8], [sflag:$0x3], $0x280, $0x38;
	[tilespmem:$0x4580] =	vst v63  }
0x42: {  	_ =	swait.ge [sflag:s9], $0x280  }
0x43: {  	[sflag:s9] =	ssyncset.done $0x0  }
0x44: {  	[sflag:s9] =	ssyncadd.s32 $0xFFFFFD80  }
0x45: {  	[bflag:$0x0] =	sbarrier.arrive $0xFFFF  }
0x46: {  	_ =	swait.ge [sflag:s10], $0x3E80  }
0x47: {  	[sflag:s10] =	ssyncset.done $0x0  }
0x48: {  	[sflag:s10] =	ssyncadd.s32 $0xFFFFC180  }
0x49: {  	[spmem:s2] =	stream.indirect.scatter.add.f32 [tilespmem:s12], [sflag:$0x2], $0x1, s3, s11, $0xb8;
	[tilespmem:$0x4580] =	vst v63  }
0x4a: {  	_ = 	snop  }
0x4b: {  	[spmem:s2] =	stream.indirect.scatter.add.f32 [tilespmem:s12], [sflag:$0x2], $0x1, s13, s11, $0xb8;
	[tilespmem:$0x4580] =	vst v63  }
0x4c: {  	_ = 	snop  }
0x4d: {  	[spmem:s2] =	stream.indirect.scatter.add.f32 [tilespmem:s12], [sflag:$0x2], $0x1, s14, s11, $0xb8;
	[tilespmem:$0x4580] =	vst v63  }
0x4e: {  	_ = 	snop  }
0x4f: {  	[spmem:s2] =	stream.indirect.scatter.add.f32 [tilespmem:s12], [sflag:$0x2], $0x1, s15, s11, $0xb8;
	[tilespmem:$0x4580] =	vst v63  }
0x50: {  	_ = 	snop  }
0x51: {  	[spmem:s2] =	stream.indirect.scatter.add.f32 [tilespmem:s12], [sflag:$0x2], $0x1, s16, s11, $0xb8;
	[tilespmem:$0x4580] =	vst v63  }
0x52: {  	_ = 	snop  }
0x53: {  	[spmem:s2] =	stream.indirect.scatter.add.f32 [tilespmem:s12], [sflag:$0x2], $0x1, s17, s11, $0xb8;
	[tilespmem:$0x4580] =	vst v63  }
0x54: {  	_ = 	snop  }
0x55: {  	[spmem:s2] =	stream.indirect.scatter.add.f32 [tilespmem:s12], [sflag:$0x2], $0x1, s18, s11, $0xb8;
	[tilespmem:$0x4580] =	vst v63  }
0x56: {  	_ = 	snop  }
0x57: {  	[spmem:s2] =	stream.indirect.scatter.add.f32 [tilespmem:s12], [sflag:$0x2], $0x1, s19, s11, $0xb8;
	[tilespmem:$0x4580] =	vst v63  }
0x58: {  	s26 =	simm.s32 $0x400  }
0x59: {  	[spmem:s2] =	stream.indirect.scatter.add.f32 [tilespmem:s12], [sflag:$0x2], $0x1, s26, s11, $0xb8;
	[tilespmem:$0x4580] =	vst v63  }
0x5a: {  	_ =	swait.ge [sflag:s20], $0x50  }
0x5b: {  	s26 =	simm.s32 $0x1200;
	[sflag:s20] =	ssyncset.done $0x0  }
.LBB2_2:
0x5c: {  	s28 =	sshra.s32 s26, $0x2;
	[sflag:s20] =	ssyncadd.s32 $0xFFFFFFB0;
	p0 =	sne.s32 s26, $0xF800  }
0x5d: {  	[spmem:s2] =	stream.indirect.scatter.add.f32 [tilespmem:s12], [sflag:$0x2], $0x1, s28, s11, $0xb8;
	[tilespmem:$0x4580] =	vst v63  }
.Ltmp0:
0x5e: {  	_ = 	snop;
	(pc) =	sbr.rel @p0 .LBB2_2-.Ltmp0, $4  }
0x5f: {  	_ = 	snop  }
0x60: {  	s26 =	sadd.s32 $0x200, s26  }
0x61: {  	_ =	swait.ge [sflag:s20], $0x50  }
0x62: {  	[sflag:s20] =	ssyncset.done $0x0  }
0x63: {  	[sflag:s20] =	ssyncadd.s32 $0xFFFFFFB0  }
0x64: {  	_ =	swait.ge [sflag:s20], $0x50  }
0x65: {  	[sflag:s20] =	ssyncset.done $0x0  }
0x66: {  	[sflag:s20] =	ssyncadd.s32 $0xFFFFFFB0  }
0x67: {  	_ =	swait.ge [sflag:s20], $0x50  }
0x68: {  	[sflag:s20] =	ssyncset.done $0x0  }
0x69: {  	[sflag:s20] =	ssyncadd.s32 $0xFFFFFFB0  }
0x6a: {  	_ =	swait.ge [sflag:s20], $0x50  }
0x6b: {  	[sflag:s20] =	ssyncset.done $0x0  }
0x6c: {  	[sflag:s20] =	ssyncadd.s32 $0xFFFFFFB0  }
0x6d: {  	_ =	swait.ge [sflag:s20], $0x50  }
0x6e: {  	[sflag:s20] =	ssyncset.done $0x0  }
0x6f: {  	[sflag:s20] =	ssyncadd.s32 $0xFFFFFFB0  }
0x70: {  	_ =	swait.ge [sflag:s20], $0x50  }
0x71: {  	[sflag:s20] =	ssyncset.done $0x0  }
0x72: {  	[sflag:s20] =	ssyncadd.s32 $0xFFFFFFB0  }
0x73: {  	_ =	swait.ge [sflag:s20], $0x50  }
0x74: {  	[sflag:s20] =	ssyncset.done $0x0  }
0x75: {  	[sflag:s20] =	ssyncadd.s32 $0xFFFFFFB0  }
0x76: {  	_ =	swait.ge [sflag:s20], $0x50  }
0x77: {  	[sflag:s20] =	ssyncset.done $0x0  }
0x78: {  	[sflag:s20] =	ssyncadd.s32 $0xFFFFFFB0  }
0x79: {  	_ =	swait.ge [sflag:s20], $0x50  }
0x7a: {  	s25 =	sadd.s32 $0x1, s25;
	[sflag:s20] =	ssyncset.done $0x0  }
0x7b: {  	p0 =	sne.s32 s25, s7;
	[sflag:s20] =	ssyncadd.s32 $0xFFFFFFB0  }
.Ltmp1:
0x7c: {  	[bflag:$0x0] =	sbarrier.arrive $0xFFFF;
	(pc) =	sbr.rel @p0 .LBB2_1-.Ltmp1, $4  }
0x7d: {  	[hbm:s6@s23], [sflag:s21] =	dma.strided [spmem:s22@s24], $0x50, s10, $0x10   }
0x7e: {  	_ =	swait.ge [sflag:s9], $0x50  }
0x7f: {  	[sflag:s9] =	ssyncset.done $0x0  }
0x80: {  	[sflag:s9] =	ssyncadd.s32 $0xFFFFFFB0  }
0x81: {  	_ =	sfence.sel $0x180000  }
0x82: {  	[bflag:$0x0] =	sbarrier.arrive $0xFFFF  }
0x83: {  	p0 =	sne.s32 s1, $0x0;
	_ =	strace $0x90000047  }
0x84: {  	s0 =	sadd.s32 @!p0 $0x100000, s0;
	[bflag:$0x2] =	sbarrier.arrive $0xFFFF  }
0x85: {  	[sflag:s0] =	ssyncadd.tile.s32 @!p0 $0x1;
	_ =	shalt  }
.Lfunc_end2:
_tile_overlayer_lowered:
.L_overlay_start_2:
0x86: {  	(tag) =	ssettag $0x2  }
0x87: {  	s0 =	rddreg [dreg:$0x0];
	s2 =	stileid.u32  }
0x88: {  	s1 =	rddreg [dreg:$0x1];
	p0 =	sne.s32 s2, $0x0  }
0x89: {  	s3 =	rddreg [dreg:$0x2];
	[bflag:$0x3] =	sbarrier.arrive $0xFFFF;
	s2 =	simm.s32 @!p0 $0x1C03  }
0x8a: {  	[timem:s3], [sflag:s2] =	dma.local @!p0 [hbm:s0], s1  }
0x8b: {  	s0 =	simm.s32 @!p0 $0x3  }
0x8c: {  	_ =	swait.ge @!p0 [sflag:s0], s1  }
0x8d: {  	s1 =	ssub.s32 @!p0 $0x0, s1;
	[sflag:s0] =	ssyncset.done @!p0 $0x0  }
0x8e: {  	[sflag:s0] =	ssyncadd.s32 @!p0 s1  }
0x8f: {  	[bflag:$0x3] =	sbarrier.arrive $0xFFFF  }
0x90: {  	_ =	shalt  }

// kernel: kernel.9.cloned.1.call-start
scs
__scs_entry_jumppad:
0x0: {  	(pc) =	sbr.rel $0x88, $3  }
0x1: {  	(tag) =	ssettag $0x0;
	lr =	simm.s32 $0x1  }
0x2: {  	[smem:$0x3F95] =	sst lr;
	_ =	strace $0xD0000000  }
0x3: {  	_ = 	snop  }
0x4: {  	_ = 	snop  }
0x5: {  	_ = 	snop  }
0x6: {  	_ = 	snop  }
0x7: {  	_ = 	snop  }
__scs_overlays_trampoline_lowered:
0x8: {  	[smem:$0x3FA4] =	sst s0  }
0x9: {  	[smem:$0x3FA5] =	sst s1  }
0xa: {  	[smem:$0x3FA6] =	sst s2  }
0xb: {  	[smem:$0x3FA7] =	sst s3  }
0xc: {  	[smem:$0x3FA8] =	sst s4  }
0xd: {  	[smem:$0x3FA9] =	sst s5  }
0xe: {  	[smem:$0x3FAA] =	sst s6  }
0xf: {  	[smem:$0x3FAB] =	sst s7  }
0x10: {  	[smem:$0x3FAC] =	sst s8  }
0x11: {  	[smem:$0x3FAD] =	sst s9;
	s0 =	simm.s32 @!p0 $0x0  }
0x12: {  	s1 =	sld [smem:$0x3F93];
	s0 =	simm.s32 @p0 $0x1  }
0x13: {  	[smem:$0x3FAE] =	sst s0;
	s0 =	simm.s32 @!p1 $0x0  }
0x14: {  	s2 =	sld [smem:$0x3F92];
	s0 =	simm.s32 @p1 $0x1  }
0x15: {  	[smem:$0x3FAF] =	sst s0;
	s0 =	simm.s32 @!p2 $0x0  }
0x16: {  	s3 =	sld [smem:$0x3FDB];
	s0 =	simm.s32 @p2 $0x1  }
0x17: {  	s4 =	simm.s32 $0x1BF5;
	[smem:$0x3FB1] =	sst s0  }
0x18: {  	s0 =	sld [smem:$0x3F94];
	_ =	swait.ge [sflag:s4], $0x0  }
0x19: {  	s7 =	sld [smem:$0x3F95]  }
0x1a: {  	s8 =	sadd.s32 $0xFFFFE003, lr  }
0x1b: {  	s9 =	sadd.s32 $0xFFFFFEF7, lr;
	s5 =	simm.s32 $0xFFFFFFFF;
	p2 =	slt.u32 s8, $0xFFFFF086  }
0x1c: {  	p1 =	slt.u32 s9, $0xF7A;
	s5 =	simm.s32 @!p2 $0x0  }
0x1d: {  	s5 =	simm.s32 @p1 $0x1;
	p0 =	seq.s32 s7, s2  }
0x1e: {  	s7 =	smul.u32 @!p0 $0xF7A, s2;
	p2 =	seq.s32 @!p0 s5, $0x0  }
0x1f: {  	s9 =	smul.u32 $0xF7A, s1;
	s8 =	simm.s32 @!p0 $0x1BF5;
	p2 =	por !p2, p0  }
0x20: {  	[sflag:s8] =	ssyncset.s32 @!p0 $0xFFFFF086;
	s6 =	sadd.s32 @!p0 s3, s7;
	s7 =	simm.s32 @!p0 $0x108  }
0x21: {  	s3 =	sadd.s32 s3, s9;
	s6 =	sadd.s32 @!p0 $0x88, s6;
	s7 =	simm.s32 @p2 $0x1082  }
0x22: {  	[simem:s7], [sflag:s8] =	dma.local @!p0 [hbm:s6], $0xF7A  }
0x23: {  	s9 =	sor.u32 $0xD0000000, s2;
	s6 =	simm.s32 $0x108;
	_ =	swait.ge @!p0 [sflag:s8], $0x0  }
0x24: {  	s3 =	sadd.s32 $0x88, s3;
	s6 =	simm.s32 @!p1 $0x1082;
	[sflag:s4] =	ssyncset.s32 $0xFFFFF086  }
0x25: {  	[simem:s6], [sflag:s4] =	dma.local [hbm:s3], $0xF7A  }
0x26: {  	[smem:$0x3F95] =	sst s1;
	(tag) =	ssettag s2;
	_ =	strace s9  }
0x27: {  	s1 =	sld [smem:$0x3FA5]  }
0x28: {  	s2 =	sld [smem:$0x3FA6]  }
0x29: {  	s4 =	sld [smem:$0x3FA8]  }
0x2a: {  	p0 =	seq.s32 s5, $0x0;
	s5 =	sld [smem:$0x3FA9]  }
0x2b: {  	s6 =	sld [smem:$0x3FAA]  }
0x2c: {  	s7 =	sld [smem:$0x3FAB]  }
0x2d: {  	s3 =	simm.s32 $0x108;
	s8 =	sld [smem:$0x3FAC]  }
0x2e: {  	s3 =	simm.s32 @!p0 $0x1082;
	s9 =	sld [smem:$0x3FAD]  }
0x2f: {  	lr =	sadd.s32 s0, s3;
	s0 =	sld [smem:$0x3FA4]  }
0x30: {  	s3 =	sld [smem:$0x3FA7]  }
0x31: {  	[smem:$0x3FB0] =	sst s10  }
0x32: {  	s10 =	sld [smem:$0x3FAE];
	_ =	sdelay $0x3  }
0x33: {  	p0 =	seq.s32 s10, $0x1;
	s10 =	sld [smem:$0x3FB0];
	_ =	sdelay $0x3  }
0x34: {  	[smem:$0x3FB0] =	sst s10  }
0x35: {  	s10 =	sld [smem:$0x3FAF];
	_ =	sdelay $0x3  }
0x36: {  	p1 =	seq.s32 s10, $0x1;
	s10 =	sld [smem:$0x3FB0];
	_ =	sdelay $0x3  }
0x37: {  	[smem:$0x3FB0] =	sst s10  }
0x38: {  	s10 =	sld [smem:$0x3FB1]  }
0x39: {  	_ = 	snop;
	(pc) =	sbr.ind lr, $3  }
0x3a: {  	_ = 	snop  }
0x3b: {  	_ = 	snop  }
0x3c: {  	p2 =	seq.s32 s10, $0x1;
	s10 =	sld [smem:$0x3FB0]  }
0x3d: {  	_ =	shalt  }
0x3e: {  	_ =	shalt  }
0x3f: {  	_ =	shalt  }
0x40: {  	_ =	shalt  }
0x41: {  	_ =	shalt  }
0x42: {  	_ =	shalt  }
0x43: {  	_ =	shalt  }
0x44: {  	_ =	shalt  }
0x45: {  	_ =	shalt  }
0x46: {  	_ =	shalt  }
0x47: {  	_ =	shalt  }
0x48: {  	_ =	shalt  }
0x49: {  	_ =	shalt  }
0x4a: {  	_ =	shalt  }
0x4b: {  	_ =	shalt  }
0x4c: {  	_ =	shalt  }
0x4d: {  	_ =	shalt  }
0x4e: {  	_ =	shalt  }
0x4f: {  	_ =	shalt  }
0x50: {  	_ =	shalt  }
0x51: {  	_ =	shalt  }
0x52: {  	_ =	shalt  }
0x53: {  	_ =	shalt  }
0x54: {  	_ =	shalt  }
0x55: {  	_ =	shalt  }
0x56: {  	_ =	shalt  }
0x57: {  	_ =	shalt  }
0x58: {  	_ =	shalt  }
0x59: {  	_ =	shalt  }
0x5a: {  	_ =	shalt  }
0x5b: {  	_ =	shalt  }
0x5c: {  	_ =	shalt  }
0x5d: {  	_ =	shalt  }
0x5e: {  	_ =	shalt  }
0x5f: {  	_ =	shalt  }
0x60: {  	_ =	shalt  }
0x61: {  	_ =	shalt  }
0x62: {  	_ =	shalt  }
0x63: {  	_ =	shalt  }
0x64: {  	_ =	shalt  }
0x65: {  	_ =	shalt  }
0x66: {  	_ =	shalt  }
0x67: {  	_ =	shalt  }
0x68: {  	_ =	shalt  }
0x69: {  	_ =	shalt  }
0x6a: {  	_ =	shalt  }
0x6b: {  	_ =	shalt  }
0x6c: {  	_ =	shalt  }
0x6d: {  	_ =	shalt  }
0x6e: {  	_ =	shalt  }
0x6f: {  	_ =	shalt  }
0x70: {  	_ =	shalt  }
0x71: {  	_ =	shalt  }
0x72: {  	_ =	shalt  }
0x73: {  	_ =	shalt  }
0x74: {  	_ =	shalt  }
0x75: {  	_ =	shalt  }
0x76: {  	_ =	shalt  }
0x77: {  	_ =	shalt  }
0x78: {  	_ =	shalt  }
0x79: {  	_ =	shalt  }
0x7a: {  	_ =	shalt  }
0x7b: {  	_ =	shalt  }
0x7c: {  	_ =	shalt  }
0x7d: {  	_ =	shalt  }
0x7e: {  	_ =	shalt  }
0x7f: {  	_ =	shalt  }
0x80: {  	_ =	shalt  }
0x81: {  	_ =	shalt  }
0x82: {  	_ =	shalt  }
0x83: {  	_ =	shalt  }
0x84: {  	_ =	shalt  }
0x85: {  	_ =	shalt  }
0x86: {  	_ =	shalt  }
0x87: {  	_ =	shalt  }
.Lfunc_end0:
.L_simem_size_0:
called_computation.1_lowered:
.L_overlay_start_0:
0x88: {  	s2 =	sld [smem:$0x3FD9]  }
0x89: {  	s3 =	sld [smem:$0x3FFE];
	_ =	sdelay $0x1  }
0x8a: {  	s1 =	srdreg.scid  }
0x8b: {  	s0 =	sand.u32 $0x1, s1  }
0x8c: {  	s17 =	sshll.u32 s0, $0xA;
	s2 =	sadd.s32 s3, s2  }
0x8d: {  	s2 =	sadd.s32 s2, s17  }
0x8e: {  	[smem:$0x3FBC] =	sst s2  }
0x8f: {  	_ = 	snop  }
0x90: {  	s2 =	sld [smem:$0x3FD0];
	(tm) =	ssettm $0x1  }
0x91: {  	s18 =	sld [smem:$0x3FFB];
	_ =	sdelay $0x3  }
0x92: {  	_ =	strace s18  }
0x93: {  	s3 =	sld [smem:$0x3FFC];
	_ =	sdelay $0x3  }
0x94: {  	_ =	strace s3  }
0x95: {  	s3 =	sld [smem:$0x3FFD];
	_ =	sdelay $0x3  }
0x96: {  	_ =	strace s3  }
0x97: {  	_ =	strace $0x8FFFFFFF  }
0x98: {  	s19 =	sld [smem:$0x3FDB];
	_ =	sdelay $0x1  }
0x99: {  	s4 =	simm.s32 $_scs_section_size  }
0x9a: {  	s5 =	simm.s32 $_size__tile_overlayer_lowered;
	s6 =	simm.s32 $_tile_overlayer_lowered  }
0x9b: {  	s22 =	simm.s32 $0x1BFF;
	s21 =	sshll.u32 s6, $0x1;
	s3 =	sadd.s32 s4, s19  }
0x9c: {  	s7 =	simm.s32 $0x0;
	s20 =	sshll.u32 s5, $0x1;
	s5 =	sadd.s32 s21, s3  }
0x9d: {  	[timem:s7], [sflag:s22] =	dma.local [hbm:s5], s20  }
0x9e: {  	_ =	swait.ge [sflag:s22], s20  }
0x9f: {  	s4 =	ssub.s32 $0x0, s20;
	[sflag:s22] =	ssyncset.done $0x0  }
0xa0: {  	[sflag:s22] =	ssyncadd.s32 s4;
	_ =	sdelay $0x1  }
0xa1: {  	s23 =	simm.s32 $0x1B8B  }
0xa2: {  	_ =	swait.ge [sflag:s23], $0x1  }
0xa3: {  	[sflag:s23] =	ssyncset.done $0x0  }
0xa4: {  	s25 =	simm.s32 $0x1B8E;
	s24 =	sld [smem:$0x3FFE];
	[sflag:s23] =	ssyncadd.s32 $0xFFFFFFFF  }
0xa5: {  	s26 =	simm.s32 $execute0_lowered;
	[smem:$0x3FD2] =	sst s25  }
0xa6: {  	s5 =	sshll.u32 s26, $0x1;
	_ =	strace $0x80000049;
	[dreg:$0x1] =	wrdreg $0xFFFFFFFF  }
0xa7: {  	s28 =	simm.s32 $_size_execute0_lowered;
	s3 =	sadd.s32 s3, s5;
	[dreg:$0x0] =	wrdreg $0x0  }
0xa8: {  	s5 =	sshll.u32 s28, $0x1;
	[dreg:$0x2] =	wrdreg s3  }
0xa9: {  	[dreg:$0x3] =	wrdreg s5  }
0xaa: {  	[dreg:$0x4] =	wrdreg $0xC0  }
0xab: {  	_ =	task [dreg:s7], $0x5FFFF  }
0xac: {  	[dreg:$0x1] =	wrdreg $0xFFFFFFFF  }
0xad: {  	[dreg:$0x0] =	wrdreg $0x60  }
0xae: {  	[dreg:$0x2] =	wrdreg s2  }
0xaf: {  	[dreg:$0x3] =	wrdreg s24  }
0xb0: {  	[dreg:$0x4] =	wrdreg $0x92000  }
0xb1: {  	[dreg:$0x5] =	wrdreg $0x9  }
0xb2: {  	_ =	task.clear_ibuf [dreg:s7], $0x6FFFF;
	_ =	strace $0x90000049  }
0xb3: {  	s29 =	simm.s32 $0x9;
	_ =	strace $0x8000004B  }
0xb4: {  	_ =	swait.ge [sflag:s29], $0x1  }
0xb5: {  	[sflag:s29] =	ssyncadd.s32 $0xFFFFFFFF  }
0xb6: {  	_ =	strace $0x9000004B  }
0xb7: {  	_ =	sfence  }
0xb8: {  	s30 =	sld [smem:$0x0];
	_ =	sdelay $0x2  }
0xb9: {  	s31 =	sshll.u32 s1, $0xD;
	s1 =	sshrl.u32 s1, $0x2  }
0xba: {  	s3 =	sand.u32 $0x4000, s31;
	s1 =	sadd.s32 s1, s30  }
0xbb: {  	s0 =	sor.u32 s3, s0;
	s1 =	sshll.u32 s1, $0x11  }
0xbc: {  	s0 =	sor.u32 s1, s0  }
0xbd: {  	s0 =	sadd.s32 $0x8F2B, s0  }
0xbe: {  	[sflag:s0] =	ssyncadd.remote.s32 $0x1  }
0xbf: {  	_ =	sfence.sel $0xFFFF  }
0xc0: {  	[dreg:$0x0] =	wrdreg $0xFFFFFFFF;
	(pc) =	sbr.abs _section_cstart, $3  }
0xc1: {  	[dreg:$0x1] =	wrdreg $0xFFFFFFFF  }
0xc2: {  	_ =	task.clear_ibuf [dreg:s7], $0x2FFFF;
	_ =	strace $0x9FFFFFFF  }
0xc3: {  	(tm) =	ssettm $0x7FFFFFFF  }
tec
execute0_lowered:
.L_overlay_start_1:
0x0: {  	(tag) =	ssettag $0x1  }
0x1: {  	s1 =	rddreg [dreg:$0x0]  }
0x2: {  	s0 =	srdreg.scid;
	s2 =	rddreg [dreg:$0x1]  }
0x3: {  	s7 =	stileid.u32;
	s3 =	rddreg [dreg:$0x2]  }
0x4: {  	s6 =	simm.s32 $0x0;
	s16 =	simm.s32 $0x6A00;
	s17 =	simm.s32 $0x6  }
0x5: {  	s28 =	simm.s32 $0x1;
	s29 =	simm.s32 $0x7;
	s30 =	simm.s32 $0x50  }
0x6: {  	s31 =	simm.s32 $0x4080;
	s8 =	simm.s32 $0x9;
	s9 =	simm.s32 $0x0  }
0x7: {  	s0 =	sand.u32 $0x1, s0;
	s5 =	smul.u32 $0x14000, s7;
	[smem:$0x7FF] =	sst s6  }
0x8: {  	s19 =	smul.u32 $0x50000, s7;
	s20 =	sshll.u32 s7, $0xC;
	s7 =	simm.s32 $0x4  }
0x9: {  	s4 =	smul.u32 $0x140000, s0;
	s18 =	sshll.u32 s0, $0xB;
	s0 =	ssub.s32 $0x2, s0  }
0xa: {  	_ =	strace $0x8000004A;
	s6 =	sshrl.u32 s19, $0x2;
	s21 =	sshrl.u32 s0, $0x1  }
0xb: {  	s19 =	simm.s32 $0x4000;
	s4 =	sadd.s32 s5, s4;
	s5 =	sadd.s32 s18, s2  }
0xc: {  	s0 =	ssub.s32 s0, s21;
	s18 =	simm.s32 $0x28;
	s4 =	sshrl.u32 s4, $0x3  }
0xd: {  	s21 =	simm.s32 $0x4028;
	s2 =	sadd.s32 s4, s2;
	s4 =	sadd.s32 s20, s5  }
0xe: {  	s15 =	smax.u32 s0, $0x1;
	s5 =	sadd.s32 s6, s3;
	s4 =	sadd.s32 $0x3000, s4  }
0xf: {  	s0 =	simm.s32 $0x4180;
	s22 =	sadd.s32 $0x2800, s5;
	[dreg:$0x4] =	wrdreg s4  }
0x10: {  	s20 =	simm.s32 $0x4200;
	s23 =	sadd.s32 $0x5000, s5;
	[dreg:$0x5] =	wrdreg s22  }
0x11: {  	s6 =	simm.s32 $0x3;
	s24 =	sadd.s32 $0x7800, s5;
	[dreg:$0x6] =	wrdreg s23  }
0x12: {  	s25 =	sadd.s32 $0xA000, s5;
	s26 =	sadd.s32 $0xC800, s5;
	[dreg:$0x7] =	wrdreg s24  }
0x13: {  	s12 =	sadd.s32 $0xF000, s5;
	s13 =	sadd.s32 $0x11800, s5;
	[dreg:$0x8] =	wrdreg s25  }
0x14: {  	s14 =	sadd.s32 $0x13000, s2;
	s2 =	simm.s32 $0x2;
	[dreg:$0x9] =	wrdreg s26  }
0x15: {  	s22 =	simm.s32 $0x5600;
	s23 =	simm.s32 $0x5;
	s24 =	simm.s32 $0x4100  }
0x16: {  	v0 =	vimm.f32 $0.0e+00;
	s25 =	simm.s32 $0x4128;
	s26 =	simm.s32 $0x7E00;
	s4 =	simm.s32 $0x8  }
.LBB2_1:
0x17: {  	s10 =	simm.s32 $0x0;
	s11 =	rddreg [dreg:$0x4]  }
0x18: {  	[tilespmem:s10], [sflag:$0x6] =	stream.linear.gather [hbm4b:s11+s10], $0x3E80, $0x38;
	[tilespmem:$0x1D200] =	vst v63  }
0x19: {  	s10 =	simm.s32 $0x0;
	s11 =	simm.s32 $0x200  }
.LBB2_2:
0x1a: {  	p0 =	sne.s32 s11, $0x9E00;
	[tilespmem:s10+$0x6A70] =	vst v0  }
0x1b: {  	[tilespmem:s10+$0x6A00] =	vst v0  }
0x1c: {  	[tilespmem:s10+$0x6A10] =	vst v0  }
.Ltmp0:
0x1d: {  	[tilespmem:s10+$0x6A20] =	vst v0;
	(pc) =	sbr.rel @p0 .LBB2_2-.Ltmp0, $4  }
0x1e: {  	[tilespmem:s10+$0x6A30] =	vst v0  }
0x1f: {  	[tilespmem:s10+$0x6A40] =	vst v0  }
0x20: {  	[tilespmem:s10+$0x6A50] =	vst v0  }
0x21: {  	[tilespmem:s10+$0x6A60] =	vst v0;
	s10 =	sshra.s32 s11, $0x2;
	s11 =	sadd.s32 $0x200, s11  }
0x22: {  	[tilespmem:s10+$0x6A70] =	vst v0  }
0x23: {  	[tilespmem:s10+$0x6A00] =	vst v0  }
0x24: {  	[tilespmem:s10+$0x6A10] =	vst v0  }
0x25: {  	[tilespmem:s10+$0x6A20] =	vst v0  }
0x26: {  	[tilespmem:s10+$0x6A30] =	vst v0  }
0x27: {  	[tilespmem:s10+$0x6A40] =	vst v0  }
0x28: {  	[tilespmem:s10+$0x6A50] =	vst v0  }
0x29: {  	[tilespmem:s10+$0x6A60] =	vst v0  }
0x2a: {  	[spmem:s5] =	stream.linear.scatter [tilespmem:s16], [sflag:$0x5], $0x2800, $0x38;
	[tilespmem:$0x1D200] =	vst v63  }
0x2b: {  	s11 =	rddreg [dreg:$0x5]  }
0x2c: {  	[spmem:s11] =	stream.linear.scatter [tilespmem:s16], [sflag:$0x5], $0x2800, $0x38;
	[tilespmem:$0x1D200] =	vst v63  }
0x2d: {  	s11 =	rddreg [dreg:$0x6]  }
0x2e: {  	[spmem:s11] =	stream.linear.scatter [tilespmem:s16], [sflag:$0x5], $0x2800, $0x38;
	[tilespmem:$0x1D200] =	vst v63  }
0x2f: {  	s11 =	rddreg [dreg:$0x7]  }
0x30: {  	[spmem:s11] =	stream.linear.scatter [tilespmem:s16], [sflag:$0x5], $0x2800, $0x38;
	[tilespmem:$0x1D200] =	vst v63  }
0x31: {  	s11 =	rddreg [dreg:$0x8]  }
0x32: {  	[spmem:s11] =	stream.linear.scatter [tilespmem:s16], [sflag:$0x5], $0x2800, $0x38;
	[tilespmem:$0x1D200] =	vst v63  }
0x33: {  	s11 =	rddreg [dreg:$0x9]  }
0x34: {  	[spmem:s11] =	stream.linear.scatter [tilespmem:s16], [sflag:$0x5], $0x2800, $0x38;
	[tilespmem:$0x1D200] =	vst v63  }
0x35: {  	_ = 	snop  }
0x36: {  	[spmem:s12] =	stream.linear.scatter [tilespmem:s16], [sflag:$0x5], $0x2800, $0x38;
	[tilespmem:$0x1D200] =	vst v63  }
0x37: {  	_ = 	snop  }
0x38: {  	[spmem:s13] =	stream.linear.scatter [tilespmem:s16], [sflag:$0x5], $0x2800, $0x38;
	[tilespmem:$0x1D200] =	vst v63  }
0x39: {  	_ =	swait.ge [sflag:s17], $0x3E80  }
0x3a: {  	[sflag:s17] =	ssyncset.done $0x0  }
0x3b: {  	[sflag:s17] =	ssyncadd.s32 $0xFFFFC180  }
0x3c: {  	v1 =	vld [tilespmem:$0x0];
	_ =	sdelay $0x1  }
0x3d: {  	v2 =	vld [tilespmem:$0x10];
	_ =	sdelay $0x1  }
0x3e: {  	v3 =	vld [tilespmem:$0x20]  }
0x3f: {  	v4 =	vand.u32 $0xFFFF, v1  }
0x40: {  	v59 =	vld [tilespmem:$0x30];
	v1 =	vshrl.u32 v1, $0x10;
	[tilespmem:$0x4000] =	vst v4  }
0x41: {  	[tilespmem:$0x4080] =	vst v1;
	v1 =	vand.u32 $0xFFFF, v2  }
0x42: {  	[tilespmem:$0x4010] =	vst v1;
	v1 =	vshrl.u32 v2, $0x10;
	v2 =	vld [tilespmem:$0x40]  }
0x43: {  	[tilespmem:$0x4090] =	vst v1;
	v1 =	vand.u32 $0xFFFF, v3  }
0x44: {  	[tilespmem:$0x4020] =	vst v1;
	v1 =	vshrl.u32 v3, $0x10  }
0x45: {  	[tilespmem:$0x40A0] =	vst v1;
	v1 =	vand.u32 $0xFFFF, v59  }
0x46: {  	[tilespmem:$0x4030] =	vst v1;
	v1 =	vshrl.u32 v59, $0x10  }
0x47: {  	[tilespmem:$0x40B0] =	vst v1;
	v1 =	vand.u32 $0xFFFF, v2  }
0x48: {  	[tilespmem:$0x4040] =	vst v1;
	v1 =	vshrl.u32 v2, $0x10  }
0x49: {  	[tilespmem:$0x40C0] =	vst v1  }
0x4a: {  	[tilespmem:s20], [sflag:$0x1] =	stream.indirect.gather [hbm4b:s1+s18], $0x80, s19, s18, $0xb8;
	[tilespmem:$0x1D200] =	vst v63  }
0x4b: {  	_ = 	snop  }
0x4c: {  	[tilespmem:s22], [sflag:$0x7] =	stream.indirect.gather [hbm4b:s1+s18], $0x80, s21, s18, $0xb8;
	[tilespmem:$0x1D200] =	vst v63  }
0x4d: {  	_ =	swait.ge [sflag:s23], $0x2800  }
0x4e: {  	[sflag:s23] =	ssyncset.done $0x0  }
0x4f: {  	[sflag:s23] =	ssyncadd.s32 $0xFFFFD800  }
0x50: {  	_ =	swait.ge [sflag:s23], $0x2800  }
0x51: {  	[sflag:s23] =	ssyncset.done $0x0  }
0x52: {  	[sflag:s23] =	ssyncadd.s32 $0xFFFFD800  }
0x53: {  	_ =	swait.ge [sflag:s23], $0x2800  }
0x54: {  	[sflag:s23] =	ssyncset.done $0x0  }
0x55: {  	[sflag:s23] =	ssyncadd.s32 $0xFFFFD800  }
0x56: {  	_ =	swait.ge [sflag:s23], $0x2800  }
0x57: {  	[sflag:s23] =	ssyncset.done $0x0  }
0x58: {  	[sflag:s23] =	ssyncadd.s32 $0xFFFFD800  }
0x59: {  	_ =	swait.ge [sflag:s23], $0x2800  }
0x5a: {  	[sflag:s23] =	ssyncset.done $0x0  }
0x5b: {  	[sflag:s23] =	ssyncadd.s32 $0xFFFFD800  }
0x5c: {  	_ =	swait.ge [sflag:s23], $0x2800  }
0x5d: {  	[sflag:s23] =	ssyncset.done $0x0  }
0x5e: {  	[sflag:s23] =	ssyncadd.s32 $0xFFFFD800  }
0x5f: {  	_ =	swait.ge [sflag:s23], $0x2800  }
0x60: {  	[sflag:s23] =	ssyncset.done $0x0  }
0x61: {  	[sflag:s23] =	ssyncadd.s32 $0xFFFFD800  }
0x62: {  	_ =	swait.ge [sflag:s23], $0x2800  }
0x63: {  	[sflag:s23] =	ssyncset.done $0x0  }
0x64: {  	[sflag:s23] =	ssyncadd.s32 $0xFFFFD800  }
0x65: {  	[bflag:$0x0] =	sbarrier.arrive $0xFFFF  }
0x66: {  	v1 =	vld [tilespmem:$0x80];
	_ =	sdelay $0x1  }
0x67: {  	v2 =	vld [tilespmem:$0x90];
	_ =	sdelay $0x1  }
0x68: {  	v3 =	vld [tilespmem:$0xA0]  }
0x69: {  	v60 =	vand.u32 $0xFFFF, v1  }
0x6a: {  	v61 =	vld [tilespmem:$0xB0];
	v1 =	vshrl.u32 v1, $0x10;
	[tilespmem:$0x4100] =	vst v60  }
0x6b: {  	[tilespmem:$0x4180] =	vst v1;
	v1 =	vand.u32 $0xFFFF, v2  }
0x6c: {  	[tilespmem:$0x4110] =	vst v1;
	v1 =	vshrl.u32 v2, $0x10;
	v2 =	vld [tilespmem:$0xC0]  }
0x6d: {  	[tilespmem:$0x4190] =	vst v1;
	v1 =	vand.u32 $0xFFFF, v3  }
0x6e: {  	[tilespmem:$0x4120] =	vst v1;
	v1 =	vshrl.u32 v3, $0x10  }
0x6f: {  	[tilespmem:$0x41A0] =	vst v1;
	v1 =	vand.u32 $0xFFFF, v61  }
0x70: {  	[tilespmem:$0x4130] =	vst v1;
	v1 =	vshrl.u32 v61, $0x10  }
0x71: {  	[tilespmem:$0x41B0] =	vst v1;
	v1 =	vand.u32 $0xFFFF, v2  }
0x72: {  	[tilespmem:$0x4140] =	vst v1;
	v1 =	vshrl.u32 v2, $0x10  }
0x73: {  	[tilespmem:$0x41C0] =	vst v1  }
0x74: {  	[tilespmem:s16], [sflag:$0x2] =	stream.indirect.gather [hbm4b:s1+s18], $0x80, s24, s18, $0xb8;
	[tilespmem:$0x1D200] =	vst v63  }
0x75: {  	_ = 	snop  }
0x76: {  	[tilespmem:s26], [sflag:$0x8] =	stream.indirect.gather [hbm4b:s1+s18], $0x80, s25, s18, $0xb8;
	[tilespmem:$0x1D200] =	vst v63  }
0x77: {  	_ =	swait.ge [sflag:s28], $0x1400  }
0x78: {  	[sflag:s28] =	ssyncset.done $0x0  }
0x79: {  	[sflag:s28] =	ssyncadd.s32 $0xFFFFEC00  }
0x7a: {  	_ =	swait.ge [sflag:s29], $0x1400  }
0x7b: {  	[sflag:s29] =	ssyncset.done $0x0  }
0x7c: {  	[sflag:s29] =	ssyncadd.s32 $0xFFFFEC00  }
0x7d: {  	[spmem:s3] =	stream.indirect.scatter.add.f32 [tilespmem:s20], [sflag:$0x3], $0x80, s31, s30, $0xb8;
	[tilespmem:$0x1D200] =	vst v63  }
0x7e: {  	_ =	swait.ge [sflag:s2], $0x1400  }
0x7f: {  	[sflag:s2] =	ssyncset.done $0x0  }
0x80: {  	[sflag:s2] =	ssyncadd.s32 $0xFFFFEC00  }
0x81: {  	_ =	swait.ge [sflag:s4], $0x1400  }
0x82: {  	[sflag:s4] =	ssyncset.done $0x0  }
0x83: {  	[sflag:s4] =	ssyncadd.s32 $0xFFFFEC00  }
0x84: {  	[spmem:s3] =	stream.indirect.scatter.add.f32 [tilespmem:s16], [sflag:$0x4], $0x80, s0, s30, $0xb8;
	[tilespmem:$0x1D200] =	vst v63  }
0x85: {  	_ =	swait.ge [sflag:s6], $0x2800  }
0x86: {  	[sflag:s6] =	ssyncset.done $0x0  }
0x87: {  	[sflag:s6] =	ssyncadd.s32 $0xFFFFD800  }
0x88: {  	v1 =	vld [tilespmem:$0x100];
	_ =	sdelay $0x1  }
0x89: {  	v2 =	vld [tilespmem:$0x110];
	_ =	sdelay $0x1  }
0x8a: {  	v3 =	vld [tilespmem:$0x120]  }
0x8b: {  	v62 =	vand.u32 $0xFFFF, v1  }
0x8c: {  	v63 =	vld [tilespmem:$0x130];
	v1 =	vshrl.u32 v1, $0x10;
	[tilespmem:$0x4000] =	vst v62  }
0x8d: {  	[tilespmem:$0x4080] =	vst v1;
	v1 =	vand.u32 $0xFFFF, v2  }
0x8e: {  	[tilespmem:$0x4010] =	vst v1;
	v1 =	vshrl.u32 v2, $0x10;
	v2 =	vld [tilespmem:$0x140]  }
0x8f: {  	[tilespmem:$0x4090] =	vst v1;
	v1 =	vand.u32 $0xFFFF, v3  }
0x90: {  	[tilespmem:$0x4020] =	vst v1;
	v1 =	vshrl.u32 v3, $0x10  }
0x91: {  	[tilespmem:$0x40A0] =	vst v1;
	v1 =	vand.u32 $0xFFFF, v63  }
0x92: {  	[tilespmem:$0x4030] =	vst v1;
	v1 =	vshrl.u32 v63, $0x10  }
0x93: {  	[tilespmem:$0x40B0] =	vst v1;
	v1 =	vand.u32 $0xFFFF, v2  }
0x94: {  	[tilespmem:$0x4040] =	vst v1;
	v1 =	vshrl.u32 v2, $0x10  }
0x95: {  	[tilespmem:$0x40C0] =	vst v1  }
0x96: {  	[tilespmem:s20], [sflag:$0x1] =	stream.indirect.gather [hbm4b:s1+s18], $0x80, s19, s18, $0xb8;
	[tilespmem:$0x1D200] =	vst v63  }
0x97: {  	_ = 	snop  }
0x98: {  	[tilespmem:s22], [sflag:$0x7] =	stream.indirect.gather [hbm4b:s1+s18], $0x80, s21, s18, $0xb8;
	[tilespmem:$0x1D200] =	vst v63  }
0x99: {  	_ =	swait.ge [sflag:s28], $0x1400  }
0x9a: {  	[sflag:s28] =	ssyncset.done $0x0  }
0x9b: {  	[sflag:s28] =	ssyncadd.s32 $0xFFFFEC00  }
0x9c: {  	_ =	swait.ge [sflag:s29], $0x1400  }
0x9d: {  	[sflag:s29] =	ssyncset.done $0x0  }
0x9e: {  	[sflag:s29] =	ssyncadd.s32 $0xFFFFEC00  }
0x9f: {  	[spmem:s3] =	stream.indirect.scatter.add.f32 [tilespmem:s20], [sflag:$0x3], $0x80, s31, s30, $0xb8;
	[tilespmem:$0x1D200] =	vst v63  }
0xa0: {  	_ =	swait.ge [sflag:s7], $0x2800  }
0xa1: {  	[sflag:s7] =	ssyncset.done $0x0  }
0xa2: {  	s10 =	simm.s32 $0x0;
	[sflag:s7] =	ssyncadd.s32 $0xFFFFD800  }
0xa3: {  	v1 =	vld [tilespmem:s10+$0x180];
	_ =	sdelay $0x4  }
0xa4: {  	v2 =	vand.u32 $0xFFFF, v1  }
0xa5: {  	v1 =	vshrl.u32 v1, $0x10;
	[tilespmem:$0x4100] =	vst v2  }
0xa6: {  	[tilespmem:$0x4180] =	vst v1  }
0xa7: {  	v1 =	vld [tilespmem:s10+$0x190];
	_ =	sdelay $0x4  }
0xa8: {  	v2 =	vand.u32 $0xFFFF, v1  }
0xa9: {  	v1 =	vshrl.u32 v1, $0x10;
	[tilespmem:$0x4110] =	vst v2  }
0xaa: {  	[tilespmem:$0x4190] =	vst v1  }
0xab: {  	v1 =	vld [tilespmem:s10+$0x1A0];
	_ =	sdelay $0x4  }
0xac: {  	v2 =	vand.u32 $0xFFFF, v1  }
0xad: {  	v1 =	vshrl.u32 v1, $0x10;
	[tilespmem:$0x4120] =	vst v2  }
0xae: {  	[tilespmem:$0x41A0] =	vst v1  }
0xaf: {  	v1 =	vld [tilespmem:s10+$0x1B0];
	_ =	sdelay $0x4  }
0xb0: {  	v2 =	vand.u32 $0xFFFF, v1  }
0xb1: {  	v1 =	vshrl.u32 v1, $0x10;
	[tilespmem:$0x4130] =	vst v2  }
0xb2: {  	[tilespmem:$0x41B0] =	vst v1  }
0xb3: {  	v1 =	vld [tilespmem:s10+$0x1C0];
	_ =	sdelay $0x4  }
0xb4: {  	v2 =	vand.u32 $0xFFFF, v1  }
0xb5: {  	v1 =	vshrl.u32 v1, $0x10;
	[tilespmem:$0x4140] =	vst v2  }
0xb6: {  	[tilespmem:$0x41C0] =	vst v1  }
0xb7: {  	[tilespmem:s16], [sflag:$0x2] =	stream.indirect.gather [hbm4b:s1+s18], $0x80, s24, s18, $0xb8;
	[tilespmem:$0x1D200] =	vst v63  }
0xb8: {  	_ = 	snop  }
0xb9: {  	[tilespmem:s26], [sflag:$0x8] =	stream.indirect.gather [hbm4b:s1+s18], $0x80, s25, s18, $0xb8;
	[tilespmem:$0x1D200] =	vst v63  }
0xba: {  	_ =	swait.ge [sflag:s2], $0x1400  }
0xbb: {  	[sflag:s2] =	ssyncset.done $0x0  }
0xbc: {  	[sflag:s2] =	ssyncadd.s32 $0xFFFFEC00  }
0xbd: {  	_ =	swait.ge [sflag:s4], $0x1400  }
0xbe: {  	[sflag:s4] =	ssyncset.done $0x0  }
0xbf: {  	[sflag:s4] =	ssyncadd.s32 $0xFFFFEC00  }
0xc0: {  	[spmem:s3] =	stream.indirect.scatter.add.f32 [tilespmem:s16], [sflag:$0x4], $0x80, s0, s30, $0xb8;
	[tilespmem:$0x1D200] =	vst v63  }
0xc1: {  	_ =	swait.ge [sflag:s6], $0x2800  }
0xc2: {  	[sflag:s6] =	ssyncset.done $0x0  }
0xc3: {  	[sflag:s6] =	ssyncadd.s32 $0xFFFFD800  }
0xc4: {  	v1 =	vld [tilespmem:s10+$0x200];
	_ =	sdelay $0x4  }
0xc5: {  	v2 =	vand.u32 $0xFFFF, v1  }
0xc6: {  	v1 =	vshrl.u32 v1, $0x10;
	[tilespmem:$0x4000] =	vst v2  }
0xc7: {  	[tilespmem:$0x4080] =	vst v1  }
0xc8: {  	v1 =	vld [tilespmem:s10+$0x210];
	_ =	sdelay $0x4  }
0xc9: {  	v2 =	vand.u32 $0xFFFF, v1  }
0xca: {  	v1 =	vshrl.u32 v1, $0x10;
	[tilespmem:$0x4010] =	vst v2  }
0xcb: {  	[tilespmem:$0x4090] =	vst v1  }
0xcc: {  	v1 =	vld [tilespmem:s10+$0x220];
	_ =	sdelay $0x4  }
0xcd: {  	v2 =	vand.u32 $0xFFFF, v1  }
0xce: {  	v1 =	vshrl.u32 v1, $0x10;
	[tilespmem:$0x4020] =	vst v2  }
0xcf: {  	[tilespmem:$0x40A0] =	vst v1  }
0xd0: {  	v1 =	vld [tilespmem:s10+$0x230];
	_ =	sdelay $0x4  }
0xd1: {  	v2 =	vand.u32 $0xFFFF, v1  }
0xd2: {  	v1 =	vshrl.u32 v1, $0x10;
	[tilespmem:$0x4030] =	vst v2  }
0xd3: {  	s11 =	simm.s32 $0x400;
	[tilespmem:$0x40B0] =	vst v1  }
.LBB2_4:
0xd4: {  	p0 =	sne.s32 s11, $0xF000;
	v1 =	vld [tilespmem:s10+$0x240];
	s10 =	smov.u32 s11;
	s11 =	sadd.s32 $0x400, s11  }
0xd5: {  	_ =	sdelay $0x3  }
0xd6: {  	v2 =	vand.u32 $0xFFFF, v1;
	v1 =	vshrl.u32 v1, $0x10  }
0xd7: {  	[tilespmem:$0x4040] =	vst v2  }
0xd8: {  	[tilespmem:$0x40C0] =	vst v1  }
0xd9: {  	[tilespmem:s20], [sflag:$0x1] =	stream.indirect.gather [hbm4b:s1+s18], $0x80, s19, s18, $0xb8;
	[tilespmem:$0x1D200] =	vst v63  }
0xda: {  	_ = 	snop  }
0xdb: {  	[tilespmem:s22], [sflag:$0x7] =	stream.indirect.gather [hbm4b:s1+s18], $0x80, s21, s18, $0xb8;
	[tilespmem:$0x1D200] =	vst v63  }
0xdc: {  	_ =	swait.ge [sflag:s28], $0x1400  }
0xdd: {  	[sflag:s28] =	ssyncset.done $0x0  }
0xde: {  	[sflag:s28] =	ssyncadd.s32 $0xFFFFEC00  }
0xdf: {  	_ =	swait.ge [sflag:s29], $0x1400  }
0xe0: {  	[sflag:s29] =	ssyncset.done $0x0  }
0xe1: {  	[sflag:s29] =	ssyncadd.s32 $0xFFFFEC00  }
0xe2: {  	[spmem:s3] =	stream.indirect.scatter.add.f32 [tilespmem:s20], [sflag:$0x3], $0x80, s31, s30, $0xb8;
	[tilespmem:$0x1D200] =	vst v63  }
0xe3: {  	_ =	swait.ge [sflag:s7], $0x2800  }
0xe4: {  	[sflag:s7] =	ssyncset.done $0x0  }
0xe5: {  	s10 =	sshra.s32 s10, $0x2;
	[sflag:s7] =	ssyncadd.s32 $0xFFFFD800  }
0xe6: {  	v1 =	vld [tilespmem:s10+$0x180];
	_ =	sdelay $0x4  }
0xe7: {  	v2 =	vand.u32 $0xFFFF, v1;
	v1 =	vshrl.u32 v1, $0x10  }
0xe8: {  	[tilespmem:$0x4100] =	vst v2  }
0xe9: {  	[tilespmem:$0x4180] =	vst v1  }
0xea: {  	v1 =	vld [tilespmem:s10+$0x190];
	_ =	sdelay $0x4  }
0xeb: {  	v2 =	vand.u32 $0xFFFF, v1;
	v1 =	vshrl.u32 v1, $0x10  }
0xec: {  	[tilespmem:$0x4110] =	vst v2  }
0xed: {  	[tilespmem:$0x4190] =	vst v1  }
0xee: {  	v1 =	vld [tilespmem:s10+$0x1A0];
	_ =	sdelay $0x4  }
0xef: {  	v2 =	vand.u32 $0xFFFF, v1;
	v1 =	vshrl.u32 v1, $0x10  }
0xf0: {  	[tilespmem:$0x4120] =	vst v2  }
0xf1: {  	[tilespmem:$0x41A0] =	vst v1  }
0xf2: {  	v1 =	vld [tilespmem:s10+$0x1B0];
	_ =	sdelay $0x4  }
0xf3: {  	v2 =	vand.u32 $0xFFFF, v1;
	v1 =	vshrl.u32 v1, $0x10  }
0xf4: {  	[tilespmem:$0x4130] =	vst v2  }
0xf5: {  	[tilespmem:$0x41B0] =	vst v1  }
0xf6: {  	v1 =	vld [tilespmem:s10+$0x1C0];
	_ =	sdelay $0x4  }
0xf7: {  	v2 =	vand.u32 $0xFFFF, v1;
	v1 =	vshrl.u32 v1, $0x10  }
0xf8: {  	[tilespmem:$0x4140] =	vst v2  }
0xf9: {  	[tilespmem:$0x41C0] =	vst v1  }
0xfa: {  	[tilespmem:s16], [sflag:$0x2] =	stream.indirect.gather [hbm4b:s1+s18], $0x80, s24, s18, $0xb8;
	[tilespmem:$0x1D200] =	vst v63  }
0xfb: {  	_ = 	snop  }
0xfc: {  	[tilespmem:s26], [sflag:$0x8] =	stream.indirect.gather [hbm4b:s1+s18], $0x80, s25, s18, $0xb8;
	[tilespmem:$0x1D200] =	vst v63  }
0xfd: {  	_ =	swait.ge [sflag:s2], $0x1400  }
0xfe: {  	[sflag:s2] =	ssyncset.done $0x0  }
0xff: {  	[sflag:s2] =	ssyncadd.s32 $0xFFFFEC00  }
0x100: {  	_ =	swait.ge [sflag:s4], $0x1400  }
0x101: {  	[sflag:s4] =	ssyncset.done $0x0  }
0x102: {  	[sflag:s4] =	ssyncadd.s32 $0xFFFFEC00  }
0x103: {  	[spmem:s3] =	stream.indirect.scatter.add.f32 [tilespmem:s16], [sflag:$0x4], $0x80, s0, s30, $0xb8;
	[tilespmem:$0x1D200] =	vst v63  }
0x104: {  	_ =	swait.ge [sflag:s6], $0x2800  }
0x105: {  	[sflag:s6] =	ssyncset.done $0x0  }
0x106: {  	[sflag:s6] =	ssyncadd.s32 $0xFFFFD800  }
0x107: {  	v1 =	vld [tilespmem:s10+$0x200];
	_ =	sdelay $0x4  }
0x108: {  	v2 =	vand.u32 $0xFFFF, v1;
	v1 =	vshrl.u32 v1, $0x10  }
0x109: {  	[tilespmem:$0x4000] =	vst v2  }
0x10a: {  	[tilespmem:$0x4080] =	vst v1  }
0x10b: {  	v1 =	vld [tilespmem:s10+$0x210];
	_ =	sdelay $0x4  }
0x10c: {  	v2 =	vand.u32 $0xFFFF, v1;
	v1 =	vshrl.u32 v1, $0x10  }
0x10d: {  	[tilespmem:$0x4010] =	vst v2  }
0x10e: {  	[tilespmem:$0x4090] =	vst v1  }
0x10f: {  	v1 =	vld [tilespmem:s10+$0x220];
	_ =	sdelay $0x4  }
0x110: {  	v2 =	vand.u32 $0xFFFF, v1;
	v1 =	vshrl.u32 v1, $0x10  }
0x111: {  	[tilespmem:$0x4020] =	vst v2  }
0x112: {  	[tilespmem:$0x40A0] =	vst v1  }
0x113: {  	v1 =	vld [tilespmem:s10+$0x230];
	_ =	sdelay $0x2  }
.Ltmp1:
0x114: {  	(pc) =	sbr.rel @p0 .LBB2_4-.Ltmp1, $4  }
0x115: {  	_ = 	snop  }
0x116: {  	v2 =	vand.u32 $0xFFFF, v1;
	v1 =	vshrl.u32 v1, $0x10  }
0x117: {  	[tilespmem:$0x4030] =	vst v2  }
0x118: {  	[tilespmem:$0x40B0] =	vst v1  }
0x119: {  	v1 =	vld [tilespmem:s10+$0x240];
	_ =	sdelay $0x4  }
0x11a: {  	v2 =	vand.u32 $0xFFFF, v1  }
0x11b: {  	v1 =	vshrl.u32 v1, $0x10;
	[tilespmem:$0x4040] =	vst v2  }
0x11c: {  	[tilespmem:$0x40C0] =	vst v1  }
0x11d: {  	[tilespmem:s20], [sflag:$0x1] =	stream.indirect.gather [hbm4b:s1+s18], $0x80, s19, s18, $0xb8;
	[tilespmem:$0x1D200] =	vst v63  }
0x11e: {  	_ = 	snop  }
0x11f: {  	[tilespmem:s22], [sflag:$0x7] =	stream.indirect.gather [hbm4b:s1+s18], $0x80, s21, s18, $0xb8;
	[tilespmem:$0x1D200] =	vst v63  }
0x120: {  	_ =	swait.ge [sflag:s28], $0x1400  }
0x121: {  	[sflag:s28] =	ssyncset.done $0x0  }
0x122: {  	[sflag:s28] =	ssyncadd.s32 $0xFFFFEC00  }
0x123: {  	_ =	swait.ge [sflag:s29], $0x1400  }
0x124: {  	[sflag:s29] =	ssyncset.done $0x0  }
0x125: {  	[sflag:s29] =	ssyncadd.s32 $0xFFFFEC00  }
0x126: {  	[spmem:s3] =	stream.indirect.scatter.add.f32 [tilespmem:s20], [sflag:$0x3], $0x80, s31, s30, $0xb8;
	[tilespmem:$0x1D200] =	vst v63  }
0x127: {  	_ =	swait.ge [sflag:s7], $0x2800  }
0x128: {  	[sflag:s7] =	ssyncset.done $0x0  }
0x129: {  	[sflag:s7] =	ssyncadd.s32 $0xFFFFD800  }
0x12a: {  	s11 =	stileid.u32;
	_ =	swait.ge [sflag:s6], $0x2800  }
0x12b: {  	s9 =	sadd.s32 $0x1, s9;
	s10 =	sshll.u32 s11, $0x6;
	[sflag:s6] =	ssyncset.done $0x0  }
0x12c: {  	s11 =	sshrl.u32 s5, $0x3;
	p0 =	sne.s32 s9, s15;
	[sflag:s6] =	ssyncadd.s32 $0xFFFFD800  }
.Ltmp2:
0x12d: {  	s10 =	sor.u32 $0x1C09, s10;
	[bflag:$0x0] =	sbarrier.arrive $0xFFFF;
	(pc) =	sbr.rel @p0 .LBB2_1-.Ltmp2, $4  }
0x12e: {  	[hbm:s14], [sflag:s10] =	dma.local [spmem:s11], $0x2800  }
0x12f: {  	_ =	swait.ge [sflag:s8], $0x2800  }
0x130: {  	[sflag:s8] =	ssyncset.done $0x0  }
0x131: {  	[sflag:s8] =	ssyncadd.s32 $0xFFFFD800  }
0x132: {  	_ =	sfence.sel $0x180000  }
0x133: {  	[bflag:$0x0] =	sbarrier.arrive $0xFFFF  }
0x134: {  	_ =	strace $0x9000004A  }
0x135: {  	s0 =	stileid.u32;
	[bflag:$0x2] =	sbarrier.arrive $0xFFFF  }
0x136: {  	p0 =	sne.s32 s0, $0x0;
	s0 =	rddreg [dreg:$0x3]  }
0x137: {  	s0 =	sadd.s32 @!p0 $0x100000, s0  }
0x138: {  	[sflag:s0] =	ssyncadd.tile.s32 @!p0 $0x1;
	_ =	shalt  }
.Lfunc_end2:
_tile_overlayer_lowered:
.L_overlay_start_2:
0x139: {  	(tag) =	ssettag $0x2  }
0x13a: {  	s0 =	rddreg [dreg:$0x0];
	s2 =	stileid.u32  }
0x13b: {  	s1 =	rddreg [dreg:$0x1];
	p0 =	sne.s32 s2, $0x0  }
0x13c: {  	s3 =	rddreg [dreg:$0x2];
	[bflag:$0x3] =	sbarrier.arrive $0xFFFF;
	s2 =	simm.s32 @!p0 $0x1C09  }
0x13d: {  	[timem:s3], [sflag:s2] =	dma.local @!p0 [hbm:s0], s1  }
0x13e: {  	s0 =	simm.s32 @!p0 $0x9  }
0x13f: {  	_ =	swait.ge @!p0 [sflag:s0], s1  }
0x140: {  	s1 =	ssub.s32 @!p0 $0x0, s1;
	[sflag:s0] =	ssyncset.done @!p0 $0x0  }
0x141: {  	[sflag:s0] =	ssyncadd.s32 @!p0 s1  }
0x142: {  	[bflag:$0x3] =	sbarrier.arrive $0xFFFF  }
0x143: {  	_ =	shalt  }

</sc_bundles>
